<compile_context>
chip_gen: v7x
topology: tpu7x:2x2x1
jax: 0.10.2.dev20260603
libtpu: 0.0.44.dev20260713+nightly
codegen_flags: <defaults>
</compile_context>

<pallas_src>
import functools

import jax
import jax.numpy as jnp
from jax import lax
from jax.experimental import pallas as pl
from jax.experimental.pallas import tpu as pltpu
from jax.experimental.pallas import tpu_sc as plsc

B = 16
N = 4096
NQ = 1024
K = 32
EPS = 1e-5

_INTERPRET = False


def _fma_sq_acc(a, s):
    c = a * 4097.0
    dh = c - (c - a)
    dl = a - dh
    p = a * a
    e = ((dh * dh - p) + 2.0 * dh * dl) + dl * dl
    t = s + p
    z2 = t - s
    err2 = (s - (t - z2)) + (p - z2)
    return t + (err2 + e)


def _fps_body(xyz_ref, nxyz_ref, dist_ref):
    x = xyz_ref[:, 0, :]
    y = xyz_ref[:, 1, :]
    z = xyz_ref[:, 2, :]
    lane = lax.broadcasted_iota(jnp.int32, (B, N), 1)
    lane3 = lax.broadcasted_iota(jnp.int32, (B, 3, NQ), 2)
    dist_ref[...] = jnp.full((B, N), jnp.inf, jnp.float32)

    def body(i, far):
        m = lane == far
        fx = jnp.sum(jnp.where(m, x, 0.0), axis=1, keepdims=True)
        fy = jnp.sum(jnp.where(m, y, 0.0), axis=1, keepdims=True)
        fz = jnp.sum(jnp.where(m, z, 0.0), axis=1, keepdims=True)
        fcat = jnp.concatenate([fx[:, None, :], fy[:, None, :], fz[:, None, :]],
                               axis=1)
        nxyz_ref[...] = jnp.where(lane3 == i, fcat, nxyz_ref[...])
        dx = x - fx
        dy = y - fy
        dz = z - fz
        d = _fma_sq_acc(dz, _fma_sq_acc(dy, dx * dx))
        nd = jnp.minimum(dist_ref[...], d)
        dist_ref[...] = nd
        return jnp.argmax(nd, axis=1).astype(jnp.int32)[:, None]

    lax.fori_loop(0, NQ, body, jnp.zeros((B, 1), jnp.int32))


def _fps(xyz):
    return pl.pallas_call(
        _fps_body,
        out_shape=jax.ShapeDtypeStruct((B, 3, NQ), jnp.float32),
        scratch_shapes=[pltpu.VMEM((B, N), jnp.float32)],
        interpret=_INTERPRET,
    )(xyz)


_QT = 512


def _knn_body(nxyz_ref, xyz_ref, idx_ref, dist_ref):
    q = jnp.transpose(nxyz_ref[0])
    kk = xyz_ref[0]
    cross = lax.dot_general(q, kk, (((1,), (0,)), ((), ())),
                            preferred_element_type=jnp.float32)
    qsq = jnp.sum(q * q, axis=1, keepdims=True)
    ksq = jnp.sum(kk * kk, axis=0, keepdims=True)
    dist_ref[...] = (-2.0 * cross + qsq) + ksq
    lane = lax.broadcasted_iota(jnp.int32, (_QT, N), 1)
    krow = lax.broadcasted_iota(jnp.int32, (1, K, _QT), 1)

    def body(k, _):
        dd = dist_ref[...]
        am = jnp.argmin(dd, axis=1).astype(jnp.int32)
        idx_ref[...] = jnp.where(krow == k, am[None, None, :], idx_ref[...])
        dist_ref[...] = jnp.where(lane == am[:, None], jnp.inf, dd)
        return 0

    lax.fori_loop(0, K, body, 0)


def _knn(new_xyz, xyz):
    return pl.pallas_call(
        _knn_body,
        grid=(B, NQ // _QT),
        in_specs=[
            pl.BlockSpec((1, 3, _QT), lambda b, t: (b, 0, t)),
            pl.BlockSpec((1, 3, N), lambda b, t: (b, 0, 0)),
        ],
        out_specs=pl.BlockSpec((1, K, _QT), lambda b, t: (b, 0, t)),
        out_shape=jax.ShapeDtypeStruct((B, K, NQ), jnp.int32),
        scratch_shapes=[pltpu.VMEM((_QT, N), jnp.float32)],
        interpret=_INTERPRET,
    )(new_xyz, xyz)


def _prep_body(xyzT_ref, ptsT_ref, out_ref):
    xt = xyzT_ref[0]
    pad = jnp.zeros((N, 13), jnp.float32)
    out_ref[0, :, pl.ds(0, 16)] = jnp.concatenate([xt, pad], axis=1)
    out_ref[0, :, pl.ds(16, 32)] = ptsT_ref[0]


def _prep(xyzT, ptsT):
    return pl.pallas_call(
        _prep_body,
        grid=(B,),
        in_specs=[
            pl.BlockSpec((1, N, 3), lambda b: (b, 0, 0)),
            pl.BlockSpec((1, N, 32), lambda b: (b, 0, 0)),
        ],
        out_specs=pl.BlockSpec((1, N, 128), lambda b: (b, 0, 0)),
        out_shape=jax.ShapeDtypeStruct((B, N, 128), jnp.float32),
        interpret=_INTERPRET,
    )(xyzT, ptsT)


_P = B * NQ * K
_NW = 32
_CH = 512


def _sc_gather(table, gidx):
    mesh = plsc.VectorSubcoreMesh(core_axis_name="c", subcore_axis_name="s")
    per_w = _P // _NW

    @functools.partial(
        pl.kernel,
        mesh=mesh,
        out_type=jax.ShapeDtypeStruct((_P, 128), jnp.float32),
        scratch_types=[
            pltpu.VMEM((_CH,), jnp.int32),
            pltpu.VMEM((_CH, 128), jnp.float32),
            pltpu.SemaphoreType.DMA,
        ],
    )
    def k(table_hbm, idx_hbm, out_hbm, idx_v, rows_v, sem):
        wid = lax.axis_index("s") * 2 + lax.axis_index("c")
        base = wid * per_w

        def body(j, _):
            off = base + j * _CH
            pltpu.sync_copy(idx_hbm.at[pl.ds(off, _CH)], idx_v)
            pltpu.async_copy(table_hbm.at[idx_v], rows_v, sem).wait()
            pltpu.sync_copy(rows_v, out_hbm.at[pl.ds(off, _CH)])
            return 0

        lax.fori_loop(0, per_w // _CH, body, 0)

    return k(table, gidx)


_NT = 256
_G = B * NQ // _NT
_ROWS = _NT * K


def _y0(cg_ref, nxT_ref, W0pT_ref, b0_ref):
    a = cg_ref[0][:, :, :48]
    q = nxT_ref[0]
    qpad = jnp.concatenate([q, jnp.zeros((_NT, 45), jnp.float32)], axis=1)
    a = a - qpad[:, None, :]
    y = lax.dot_general(a.reshape(_ROWS, 48).astype(jnp.bfloat16), W0pT_ref[...],
                        (((1,), (0,)), ((), ())),
                        preferred_element_type=jnp.float32)
    return y + b0_ref[...]


def _bnrelu(y, s_ref, t_ref):
    return jnp.maximum(y * s_ref[...] + t_ref[...], 0.0)


def _mm(z, w_ref, b_ref):
    y = lax.dot_general(z.astype(jnp.bfloat16), w_ref[...], (((1,), (1,)), ((), ())),
                        preferred_element_type=jnp.float32)
    return y + b_ref[...]


def _stats_accum(y2d, out_ref):
    s = jnp.sum(y2d, axis=0, keepdims=True)
    ss = jnp.sum(y2d * y2d, axis=0, keepdims=True)
    both = jnp.concatenate([s, ss], axis=0)

    @pl.when(pl.program_id(0) == 0)
    def _():
        out_ref[...] = jnp.zeros_like(out_ref)

    out_ref[...] += both


_cg_spec = pl.BlockSpec((1, _NT, K, 128), lambda g: (g // 4, g % 4, 0, 0))
_nx_spec = pl.BlockSpec((1, _NT, 3), lambda g: (g // 4, g % 4, 0))


def _vec_spec(c):
    return pl.BlockSpec((1, c), lambda g: (0, 0))


def _w_spec(o, c):
    return pl.BlockSpec((o, c), lambda g: (0, 0))


def _pass1_body(cg_ref, nxT_ref, W0pT_ref, b0_ref, out_ref):
    y0 = _y0(cg_ref, nxT_ref, W0pT_ref, b0_ref)
    _stats_accum(y0, out_ref)


def _pass2_body(cg_ref, nxT_ref, W0pT_ref, b0_ref, s0_ref, t0_ref, W1_ref,
                b1_ref, out_ref):
    z0 = _bnrelu(_y0(cg_ref, nxT_ref, W0pT_ref, b0_ref), s0_ref, t0_ref)
    y1 = _mm(z0, W1_ref, b1_ref)
    _stats_accum(y1, out_ref)


def _pass3_body(cg_ref, nxT_ref, W0pT_ref, b0_ref, s0_ref, t0_ref, W1_ref,
                b1_ref, s1_ref, t1_ref, W2_ref, b2_ref, out_ref):
    z0 = _bnrelu(_y0(cg_ref, nxT_ref, W0pT_ref, b0_ref), s0_ref, t0_ref)
    z1 = _bnrelu(_mm(z0, W1_ref, b1_ref), s1_ref, t1_ref)
    y2 = _mm(z1, W2_ref, b2_ref)
    _stats_accum(y2, out_ref)


def _pass4_body(cg_ref, nxT_ref, W0pT_ref, b0_ref, s0_ref, t0_ref, W1_ref,
                b1_ref, s1_ref, t1_ref, W2_ref, b2_ref, s2_ref, t2_ref, out_ref):
    z0 = _bnrelu(_y0(cg_ref, nxT_ref, W0pT_ref, b0_ref), s0_ref, t0_ref)
    z1 = _bnrelu(_mm(z0, W1_ref, b1_ref), s1_ref, t1_ref)
    z2 = _bnrelu(_mm(z1, W2_ref, b2_ref), s2_ref, t2_ref)
    out_ref[0] = jnp.max(z2.reshape(_NT, K, 64), axis=1)


def _stats_call(body, extra_specs, cout, args):
    return pl.pallas_call(
        body,
        grid=(_G,),
        in_specs=[_cg_spec, _nx_spec, _w_spec(48, 32), _vec_spec(32)] + extra_specs,
        out_specs=pl.BlockSpec((2, cout), lambda g: (0, 0)),
        out_shape=jax.ShapeDtypeStruct((2, cout), jnp.float32),
        interpret=_INTERPRET,
    )(*args)


def _finalize(stats, gamma, beta):
    mean = stats[0] / _P
    var = stats[1] / _P - mean * mean
    s = gamma / jnp.sqrt(var + EPS)
    t = beta - mean * s
    return s[None, :], t[None, :]


def kernel(xyz, points, W0, b0, g0, be0, W1, b1, g1, be1, W2, b2, g2, be2):
    xyzT = jnp.transpose(xyz, (0, 2, 1))
    ptsT = jnp.transpose(points, (0, 2, 1))
    W0pT = jnp.concatenate(
        [jnp.transpose(W0[:, :3]), jnp.zeros((13, 32), jnp.float32),
         jnp.transpose(W0[:, 3:])], axis=0).astype(jnp.bfloat16)
    W1b = W1.astype(jnp.bfloat16)
    W2b = W2.astype(jnp.bfloat16)

    new_xyz = _fps(xyz)
    idx = _knn(new_xyz, xyz)
    table = _prep(xyzT, ptsT)

    gidx = (jnp.transpose(idx, (0, 2, 1))
            + (jnp.arange(B, dtype=jnp.int32) * N)[:, None, None]).reshape(-1)
    cg = _sc_gather(table.reshape(B * N, 128), gidx)
    cg4 = cg.reshape(B, NQ, K, 128)
    nxT = jnp.transpose(new_xyz, (0, 2, 1))

    b0r, b1r, b2r = b0[None, :], b1[None, :], b2[None, :]
    st0 = _stats_call(_pass1_body, [], 32, (cg4, nxT, W0pT, b0r))
    s0, t0 = _finalize(st0, g0, be0)
    st1 = _stats_call(_pass2_body,
                      [_vec_spec(32), _vec_spec(32), _w_spec(32, 32),
                       _vec_spec(32)], 32,
                      (cg4, nxT, W0pT, b0r, s0, t0, W1b, b1r))
    s1, t1 = _finalize(st1, g1, be1)
    st2 = _stats_call(_pass3_body,
                      [_vec_spec(32), _vec_spec(32), _w_spec(32, 32),
                       _vec_spec(32), _vec_spec(32), _vec_spec(32),
                       _w_spec(64, 32), _vec_spec(64)], 64,
                      (cg4, nxT, W0pT, b0r, s0, t0, W1b, b1r, s1, t1, W2b, b2r))
    s2, t2 = _finalize(st2, g2, be2)

    out = pl.pallas_call(
        _pass4_body,
        grid=(_G,),
        in_specs=[_cg_spec, _nx_spec, _w_spec(48, 32), _vec_spec(32),
                  _vec_spec(32), _vec_spec(32), _w_spec(32, 32), _vec_spec(32),
                  _vec_spec(32), _vec_spec(32), _w_spec(64, 32), _vec_spec(64),
                  _vec_spec(64), _vec_spec(64)],
        out_specs=pl.BlockSpec((1, _NT, 64), lambda g: (g // 4, g % 4, 0)),
        out_shape=jax.ShapeDtypeStruct((B, NQ, 64), jnp.float32),
        interpret=_INTERPRET,
    )(cg4, nxT, W0pT, b0r, s0, t0, W1b, b1r, s1, t1, W2b, b2r, s2, t2)

    return (new_xyz, jnp.transpose(out, (0, 2, 1)))

# --- scband reference (transcript-rebuilt; emitter-appended) ---
"""Pipeline reference for scband-point-net-set-abstraction-39316130627751 (READ-ONLY COPY).

The authoritative reference and input builder live on the scoring server;
editing this copy changes nothing except your own understanding.
"""

import jax, jax.numpy as jnp
import numpy as np

N_POINT = 1024
N_SAMPLE = 32
EPS = 1e-5

def fps(xyz, n_point):
    B, N, _ = xyz.shape
    def body(i, carry):
        samples, distance, farthest = carry
        samples = samples.at[:, i].set(farthest)
        sampled = jnp.take_along_axis(xyz, farthest[:, None, None], axis=1)
        dist = jnp.sum((xyz - sampled) ** 2, axis=2)
        distance = jnp.minimum(distance, dist)
        farthest = jnp.argmax(distance, axis=-1).astype(jnp.int32)
        return (samples, distance, farthest)
    samples0 = jnp.zeros((B, n_point), dtype=jnp.int32)
    distance0 = jnp.full((B, N), jnp.inf, dtype=jnp.float32)
    farthest0 = jnp.zeros((B,), dtype=jnp.int32)
    samples, _, _ = jax.lax.fori_loop(0, n_point, body, (samples0, distance0, farthest0))
    return samples

def gather_points(points, idx):
    B = points.shape[0]
    idx_flat = idx.reshape(B, -1)
    out = jnp.take_along_axis(points, idx_flat[..., None], axis=1)
    return out.reshape(idx.shape + (points.shape[-1],))

def knn(k, xyz, new_xyz):
    src = new_xyz[:, :, 0:3]
    dst = xyz[:, :, 0:3]
    cross = jnp.matmul(src, jnp.swapaxes(dst, 1, 2))
    n_sq = jnp.sum(src ** 2, axis=2, keepdims=True)
    m_sq = jnp.sum(dst ** 2, axis=2, keepdims=True)
    dist = -2.0 * cross + n_sq + jnp.swapaxes(m_sq, 1, 2)
    _, idx = jax.lax.top_k(-dist, k)
    return idx

def conv_bn_relu(x, W, b, gamma, beta):
    y = jnp.einsum('oc,bckn->bokn', W, x) + b[None, :, None, None]
    mean = jnp.mean(y, axis=(0, 2, 3), keepdims=True)
    var = jnp.var(y, axis=(0, 2, 3), keepdims=True)
    y = (y - mean) / jnp.sqrt(var + EPS)
    y = gamma[None, :, None, None] * y + beta[None, :, None, None]
    return jax.nn.relu(y)

def setup_inputs(seed: int = 0):
    key = jax.random.key(seed)
    ks = jax.random.split(key, 8)
    xyz = jax.random.normal(ks[0], (16, 3, 4096), dtype=jnp.float32)
    points = jax.random.normal(ks[1], (16, 32, 4096), dtype=jnp.float32)
    W0 = jax.random.normal(ks[2], (32, 35), dtype=jnp.float32) * 0.1
    b0 = jnp.zeros((32,), dtype=jnp.float32)
    g0 = jnp.ones((32,), dtype=jnp.float32)
    be0 = jnp.zeros((32,), dtype=jnp.float32)
    W1 = jax.random.normal(ks[3], (32, 32), dtype=jnp.float32) * 0.1
    b1 = jnp.zeros((32,), dtype=jnp.float32)
    g1 = jnp.ones((32,), dtype=jnp.float32)
    be1 = jnp.zeros((32,), dtype=jnp.float32)
    W2 = jax.random.normal(ks[4], (64, 32), dtype=jnp.float32) * 0.1
    b2 = jnp.zeros((64,), dtype=jnp.float32)
    g2 = jnp.ones((64,), dtype=jnp.float32)
    be2 = jnp.zeros((64,), dtype=jnp.float32)
    return {'xyz': xyz, 'points': points, 'W0': W0, 'b0': b0, 'g0': g0, 'be0': be0, 'W1': W1, 'b1': b1, 'g1': g1, 'be1': be1, 'W2': W2, 'b2': b2, 'g2': g2, 'be2': be2}

def reference(xyz, points, W0, b0, g0, be0, W1, b1, g1, be1, W2, b2, g2, be2):
    xyz_t = jnp.transpose(xyz, (0, 2, 1))
    pts_t = jnp.transpose(points, (0, 2, 1))
    fps_idx = fps(xyz_t, N_POINT)
    new_xyz = gather_points(xyz_t, fps_idx)
    idx = knn(N_SAMPLE, xyz_t, new_xyz)
    grouped_xyz = gather_points(xyz_t, idx)
    grouped_norm = grouped_xyz - new_xyz[:, :, None, :]
    grouped_feat = gather_points(pts_t, idx)
    new_points = jnp.concatenate([grouped_norm, grouped_feat], axis=-1)
    x = jnp.transpose(new_points, (0, 3, 2, 1))
    x = conv_bn_relu(x, W0, b0, g0, be0)
    x = conv_bn_relu(x, W1, b1, g1, be1)
    x = conv_bn_relu(x, W2, b2, g2, be2)
    x = jnp.max(x, axis=2)
    return (jnp.transpose(new_xyz, (0, 2, 1)), x)

if __name__ == "__main__":
    import jax
    _d = setup_inputs()
    print(jax.jit(kernel)(*tuple(_d.values())))

</pallas_src>

<mosaic_0001>
#map = affine_map<(d0, d1) -> (0, 0)>
#map1 = affine_map<(d0, d1) -> (0)>
module attributes {stable_mosaic.version = 14 : i64} {
  func.func @k(%arg0: i32, %arg1: i32, %arg2: memref<65536x128xf32, #tpu.memory_space<hbm>>, %arg3: memref<524288xi32, #tpu.memory_space<hbm>>, %arg4: memref<524288x128xf32, #tpu.memory_space<hbm>>, %arg5: memref<512xi32, #tpu.memory_space<vmem>>, %arg6: memref<512x128xf32, #tpu.memory_space<vmem>>, %arg7: memref<!tpu.dma_semaphore, #tpu.memory_space<semaphore_mem>>) attributes {dimension_semantics = [#tpu.dimension_semantics<core_parallel>, #tpu.dimension_semantics<subcore_parallel>], iteration_bounds = array<i64: 2, 16>, scalar_prefetch = 0 : i64, scratch_operands = 3 : i64, tpu.core_type = #tpu.core_type<sc_vector_subcore>, window_params = [{transform_indices = #map}, {transform_indices = #map1}, {transform_indices = #map}]} {
    %mul3A = arith.constant 2 : i32
    %mul3A_0 = arith.muli %arg1, %mul3A : i32
    %add3A = arith.addi %mul3A_0, %arg0 : i32
    %mul3A_1 = arith.constant 16384 : i32
    %mul3A_2 = arith.muli %add3A, %mul3A_1 : i32
    %scan3A = arith.constant 0 : i32
    %scan3A_3 = arith.constant 0 : i32
    %scan3A_4 = arith.constant 32 : i32
    %scan3A_5 = arith.addi %scan3A_3, %scan3A_4 : i32
    %scan3A_6 = arith.constant 1 : i32
    %scan3A_7 = scf.for %scan3A_9 = %scan3A_3 to %scan3A_5 step %scan3A_6 iter_args(%scan3A_10 = %scan3A) -> (i32)  : i32 {
      %mul3A_11 = arith.constant 512 : i32
      %mul3A_12 = arith.muli %scan3A_9, %mul3A_11 : i32
      %add3A_13 = arith.addi %mul3A_2, %mul3A_12 : i32
      "tpu.region"() ({
        %run_scoped3A = tpu.sem_alloc : memref<!tpu.dma_semaphore, #tpu.memory_space<semaphore_mem>>
        %dma_start3A_19 = tpu.memref_slice %arg3[%add3A_13] : memref<524288xi32, #tpu.memory_space<hbm>> -> memref<512xi32, #tpu.memory_space<hbm>>
        %dma_start3A_20 = tpu.memref_slice %arg3[%add3A_13] : memref<524288xi32, #tpu.memory_space<hbm>> -> memref<512xi32, #tpu.memory_space<hbm>>
        tpu.enqueue_dma source(%dma_start3A_20 : memref<512xi32, #tpu.memory_space<hbm>>) target(%arg5 : memref<512xi32, #tpu.memory_space<vmem>>) target_semaphore(%run_scoped3A : memref<!tpu.dma_semaphore, #tpu.memory_space<semaphore_mem>>)
        %dma_wait3A_21 = tpu.memref_slice %arg3[%add3A_13] : memref<524288xi32, #tpu.memory_space<hbm>> -> memref<512xi32, #tpu.memory_space<hbm>>
        %dma_wait3A_22 = tpu.memref_slice %arg3[%add3A_13] : memref<524288xi32, #tpu.memory_space<hbm>> -> memref<512xi32, #tpu.memory_space<hbm>>
        tpu.wait_dma2 semaphore(%run_scoped3A : memref<!tpu.dma_semaphore, #tpu.memory_space<semaphore_mem>>) src(%dma_wait3A_22 : memref<512xi32, #tpu.memory_space<hbm>>) dst(%arg5 : memref<512xi32, #tpu.memory_space<vmem>>)
        tpu.yield
      }) : () -> ()
      %dma_start3A = arith.constant 0 : i32
      %dma_start3A_14 = arith.constant 0 : i32
      %dma_start3A_15 = tpu.memref_slice %arg2[%dma_start3A, %dma_start3A_14] : memref<65536x128xf32, #tpu.memory_space<hbm>> -> memref<65536x128xf32, #tpu.memory_space<hbm>>
      tpu.enqueue_indirect_dma source(%dma_start3A_15 : memref<65536x128xf32, #tpu.memory_space<hbm>>) target(%arg6 : memref<512x128xf32, #tpu.memory_space<vmem>>) offsets(%arg5 : memref<512xi32, #tpu.memory_space<vmem>>) semaphore(%arg7 : memref<!tpu.dma_semaphore, #tpu.memory_space<semaphore_mem>>)
      %dma_wait3A = arith.constant 0 : i32
      %dma_wait3A_16 = arith.constant 0 : i32
      %dma_wait3A_17 = tpu.memref_slice %arg2[%dma_wait3A, %dma_wait3A_16] : memref<65536x128xf32, #tpu.memory_space<hbm>> -> memref<65536x128xf32, #tpu.memory_space<hbm>>
      tpu.wait_indirect_dma semaphore(%arg7 : memref<!tpu.dma_semaphore, #tpu.memory_space<semaphore_mem>>) src(%dma_wait3A_17 : memref<65536x128xf32, #tpu.memory_space<hbm>>) dst(%arg6 : memref<512x128xf32, #tpu.memory_space<vmem>>)
      "tpu.region"() ({
        %run_scoped3A = tpu.sem_alloc : memref<!tpu.dma_semaphore, #tpu.memory_space<semaphore_mem>>
        %dma_start3A_19 = arith.constant 0 : i32
        %dma_start3A_20 = tpu.memref_slice %arg4[%add3A_13, %dma_start3A_19] : memref<524288x128xf32, #tpu.memory_space<hbm>> -> memref<512x128xf32, #tpu.memory_space<hbm>>
        %dma_start3A_21 = arith.constant 0 : i32
        %dma_start3A_22 = tpu.memref_slice %arg4[%add3A_13, %dma_start3A_21] : memref<524288x128xf32, #tpu.memory_space<hbm>> -> memref<512x128xf32, #tpu.memory_space<hbm>>
        tpu.enqueue_dma source(%arg6 : memref<512x128xf32, #tpu.memory_space<vmem>>) target(%dma_start3A_22 : memref<512x128xf32, #tpu.memory_space<hbm>>) target_semaphore(%run_scoped3A : memref<!tpu.dma_semaphore, #tpu.memory_space<semaphore_mem>>)
        %dma_wait3A_23 = arith.constant 0 : i32
        %dma_wait3A_24 = tpu.memref_slice %arg4[%add3A_13, %dma_wait3A_23] : memref<524288x128xf32, #tpu.memory_space<hbm>> -> memref<512x128xf32, #tpu.memory_space<hbm>>
        %dma_wait3A_25 = arith.constant 0 : i32
        %dma_wait3A_26 = tpu.memref_slice %arg4[%add3A_13, %dma_wait3A_25] : memref<524288x128xf32, #tpu.memory_space<hbm>> -> memref<512x128xf32, #tpu.memory_space<hbm>>
        tpu.wait_dma2 semaphore(%run_scoped3A : memref<!tpu.dma_semaphore, #tpu.memory_space<semaphore_mem>>) src(%arg6 : memref<512x128xf32, #tpu.memory_space<vmem>>) dst(%dma_wait3A_26 : memref<512x128xf32, #tpu.memory_space<hbm>>)
        tpu.yield
      }) : () -> ()
      %scan3A_18 = arith.constant 0 : i32
      scf.yield %scan3A_18 : i32
    }
    %scan3A_8 = arith.constant 32 : i32
    return
  }
}

module attributes {stable_mosaic.version = 14 : i64} {
  func.func @_knn_body(%arg0: i32, %arg1: i32, %arg2: memref<1x3x512xf32, #tpu.memory_space<vmem>>, %arg3: memref<1x3x4096xf32, #tpu.memory_space<vmem>>, %arg4: memref<1x32x512xi32, #tpu.memory_space<vmem>>, %arg5: memref<512x4096xf32, #tpu.memory_space<vmem>>) attributes {dimension_semantics = [#tpu.dimension_semantics<arbitrary>, #tpu.dimension_semantics<arbitrary>], iteration_bounds = array<i64: 16, 2>, scalar_prefetch = 0 : i64, scratch_operands = 1 : i64, tpu.core_type = #tpu.core_type<tc>, window_params = [{transform_indices = @transform_0, window_bounds = array<i64: 1, 3, 512>}, {transform_indices = @transform_1, window_bounds = array<i64: 1, 3, 4096>}, {transform_indices = @transform_2, window_bounds = array<i64: 1, 32, 512>}]} {
    %get3A = arith.constant 0 : index
    %get3A_0 = arith.constant 0 : index
    %get3A_1 = arith.constant 0 : index
    %get3A_2 = vector.load %arg2[%get3A, %get3A_0, %get3A_1] : memref<1x3x512xf32, #tpu.memory_space<vmem>>, vector<1x3x512xf32>
    %get3A_3 = vector.shape_cast %get3A_2 : vector<1x3x512xf32> to vector<3x512xf32>
    %transpose3A = tpu.transpose %get3A_3, [1, 0] : vector<3x512xf32> -> vector<512x3xf32>
    %get3A_4 = arith.constant 0 : index
    %get3A_5 = arith.constant 0 : index
    %get3A_6 = arith.constant 0 : index
    %get3A_7 = vector.load %arg3[%get3A_4, %get3A_5, %get3A_6] : memref<1x3x4096xf32, #tpu.memory_space<vmem>>, vector<1x3x4096xf32>
    %get3A_8 = vector.shape_cast %get3A_7 : vector<1x3x4096xf32> to vector<3x4096xf32>
    %dot_general3A = arith.constant dense<0.000000e+00> : vector<512x4096xf32>
    %dot_general3A_9 = tpu.matmul %transpose3A, %get3A_8, %dot_general3A {dimension_numbers = #tpu.dot_dimension_numbers<[1], [0], [0], [1], [0, 0, 1, 1], [], []>, transpose_lhs_hint = false} : vector<512x3xf32>, vector<3x4096xf32>, vector<512x4096xf32> -> vector<512x4096xf32>
    %mul3A = arith.mulf %transpose3A, %transpose3A : vector<512x3xf32>
    %reduce_sum3A = arith.constant dense<0.000000e+00> : vector<512xf32>
    %reduce_sum3A_10 = vector.multi_reduction <add>, %mul3A, %reduce_sum3A [1] : vector<512x3xf32> to vector<512xf32>
    %broadcast_in_dim3A = vector.shape_cast %reduce_sum3A_10 : vector<512xf32> to vector<512x1xf32>
    %mul3A_11 = arith.mulf %get3A_8, %get3A_8 : vector<3x4096xf32>
    %reduce_sum3A_12 = arith.constant dense<0.000000e+00> : vector<4096xf32>
    %reduce_sum3A_13 = vector.multi_reduction <add>, %mul3A_11, %reduce_sum3A_12 [0] : vector<3x4096xf32> to vector<4096xf32>
    %broadcast_in_dim3A_14 = vector.shape_cast %reduce_sum3A_13 : vector<4096xf32> to vector<1x4096xf32>
    %mul3A_15 = arith.constant -2.000000e+00 : f32
    %mul3A_16 = vector.broadcast %mul3A_15 : f32 to vector<512x4096xf32>
    %mul3A_17 = arith.mulf %mul3A_16, %dot_general3A_9 : vector<512x4096xf32>
    %add3A = vector.broadcast %broadcast_in_dim3A : vector<512x1xf32> to vector<512x4096xf32>
    %add3A_18 = arith.addf %mul3A_17, %add3A : vector<512x4096xf32>
    %add3A_19 = vector.broadcast %broadcast_in_dim3A_14 : vector<1x4096xf32> to vector<512x4096xf32>
    %add3A_20 = arith.addf %add3A_18, %add3A_19 : vector<512x4096xf32>
    %swap3A = arith.constant 0 : index
    %swap3A_21 = arith.constant 0 : index
    %swap3A_22 = vector.load %arg5[%swap3A, %swap3A_21] : memref<512x4096xf32, #tpu.memory_space<vmem>>, vector<512x4096xf32>
    tpu.vector_store %arg5[%swap3A, %swap3A_21], %add3A_20 {strides = array<i32>} : memref<512x4096xf32, #tpu.memory_space<vmem>>, vector<512x4096xf32>,
    %iota3A = tpu.iota {dimensions = array<i32: 1>} : vector<512x4096xi32>
    %iota3A_23 = tpu.iota {dimensions = array<i32: 1>} : vector<1x32x512xi32>
    %scan3A = arith.constant 0 : i32
    %scan3A_24 = arith.constant 32 : i32
    %scan3A_25 = arith.addi %scan3A, %scan3A_24 : i32
    %scan3A_26 = arith.constant 1 : i32
    scf.for %scan3A_28 = %scan3A to %scan3A_25 step %scan3A_26  : i32 {
      %get3A_29 = arith.constant 0 : index
      %get3A_30 = arith.constant 0 : index
      %get3A_31 = vector.load %arg5[%get3A_29, %get3A_30] : memref<512x4096xf32, #tpu.memory_space<vmem>>, vector<512x4096xf32>
      %argmin3A = tpu.reduce_index %get3A_31 {axis = 1 : i32, kind = #tpu.reduction_kind<arg_min>} : vector<512x4096xf32> -> vector<512xi32>
      %eq3A = vector.broadcast %scan3A_28 : i32 to vector<1x32x512xi32>
      %eq3A_32 = arith.cmpi eq, %iota3A_23, %eq3A : vector<1x32x512xi32>
      %broadcast_in_dim3A_33 = vector.shape_cast %argmin3A : vector<512xi32> to vector<1x1x512xi32>
      %get3A_34 = arith.constant 0 : index
      %get3A_35 = arith.constant 0 : index
      %get3A_36 = arith.constant 0 : index
      %get3A_37 = vector.load %arg4[%get3A_34, %get3A_35, %get3A_36] : memref<1x32x512xi32, #tpu.memory_space<vmem>>, vector<1x32x512xi32>
      %broadcast_in_dim3A_38 = vector.shape_cast %broadcast_in_dim3A_33 : vector<1x1x512xi32> to vector<1x1x512xi32>
      %broadcast_in_dim3A_39 = vector.broadcast %broadcast_in_dim3A_38 : vector<1x1x512xi32> to vector<1x32x512xi32>
      %select_n3A = arith.select %eq3A_32, %broadcast_in_dim3A_39, %get3A_37 : vector<1x32x512xi1>, vector<1x32x512xi32>
      %swap3A_40 = arith.constant 0 : index
      %swap3A_41 = arith.constant 0 : index
      %swap3A_42 = arith.constant 0 : index
      %swap3A_43 = vector.load %arg4[%swap3A_40, %swap3A_41, %swap3A_42] : memref<1x32x512xi32, #tpu.memory_space<vmem>>, vector<1x32x512xi32>
      tpu.vector_store %arg4[%swap3A_40, %swap3A_41, %swap3A_42], %select_n3A {strides = array<i32>} : memref<1x32x512xi32, #tpu.memory_space<vmem>>, vector<1x32x512xi32>,
      %broadcast_in_dim3A_44 = vector.shape_cast %argmin3A : vector<512xi32> to vector<512x1xi32>
      %eq3A_45 = vector.broadcast %broadcast_in_dim3A_44 : vector<512x1xi32> to vector<512x4096xi32>
      %eq3A_46 = arith.cmpi eq, %iota3A, %eq3A_45 : vector<512x4096xi32>
      %jit3A = arith.constant 0x7F800000 : f32
      %broadcast_in_dim3A_47 = vector.broadcast %jit3A : f32 to vector<512x4096xf32>
      %select_n3A_48 = arith.select %eq3A_46, %broadcast_in_dim3A_47, %get3A_31 : vector<512x4096xi1>, vector<512x4096xf32>
      %swap3A_49 = arith.constant 0 : index
      %swap3A_50 = arith.constant 0 : index
      %swap3A_51 = vector.load %arg5[%swap3A_49, %swap3A_50] : memref<512x4096xf32, #tpu.memory_space<vmem>>, vector<512x4096xf32>
      tpu.vector_store %arg5[%swap3A_49, %swap3A_50], %select_n3A_48 {strides = array<i32>} : memref<512x4096xf32, #tpu.memory_space<vmem>>, vector<512x4096xf32>,
    }
    %scan3A_27 = arith.constant 32 : i32
    return
  }
  func.func @transform_0(%arg0: i32, %arg1: i32) -> (i32, i32, i32) {
    %c0_i32 = arith.constant 0 : i32
    %c0_i32_0 = arith.constant 0 : i32
    return %arg0, %c0_i32, %arg1 : i32, i32, i32
  }
  func.func @transform_1(%arg0: i32, %arg1: i32) -> (i32, i32, i32) {
    %c0_i32 = arith.constant 0 : i32
    %c0_i32_0 = arith.constant 0 : i32
    %c0_i32_1 = arith.constant 0 : i32
    return %arg0, %c0_i32, %c0_i32_0 : i32, i32, i32
  }
  func.func @transform_2(%arg0: i32, %arg1: i32) -> (i32, i32, i32) {
    %c0_i32 = arith.constant 0 : i32
    %c0_i32_0 = arith.constant 0 : i32
    return %arg0, %c0_i32, %arg1 : i32, i32, i32
  }
}

module attributes {stable_mosaic.version = 14 : i64} {
  func.func @_fps_body(%arg0: memref<16x3x4096xf32, #tpu.memory_space<vmem>>, %arg1: memref<16x3x1024xf32, #tpu.memory_space<vmem>>, %arg2: memref<16x4096xf32, #tpu.memory_space<vmem>>) attributes {dimension_semantics = [], scalar_prefetch = 0 : i64, scratch_operands = 1 : i64, tpu.core_type = #tpu.core_type<tc>} {
    %get3A = arith.constant 0 : index
    %get3A_0 = arith.constant 0 : index
    %get3A_1 = arith.constant 0 : index
    %get3A_2 = vector.load %arg0[%get3A, %get3A_0, %get3A_1] : memref<16x3x4096xf32, #tpu.memory_space<vmem>>, vector<16x1x4096xf32>
    %get3A_3 = vector.shape_cast %get3A_2 : vector<16x1x4096xf32> to vector<16x4096xf32>
    %get3A_4 = arith.constant 0 : index
    %get3A_5 = arith.constant 1 : index
    %get3A_6 = arith.constant 0 : index
    %get3A_7 = vector.load %arg0[%get3A_4, %get3A_5, %get3A_6] : memref<16x3x4096xf32, #tpu.memory_space<vmem>>, vector<16x1x4096xf32>
    %get3A_8 = vector.shape_cast %get3A_7 : vector<16x1x4096xf32> to vector<16x4096xf32>
    %get3A_9 = arith.constant 0 : index
    %get3A_10 = arith.constant 2 : index
    %get3A_11 = arith.constant 0 : index
    %get3A_12 = vector.load %arg0[%get3A_9, %get3A_10, %get3A_11] : memref<16x3x4096xf32, #tpu.memory_space<vmem>>, vector<16x1x4096xf32>
    %get3A_13 = vector.shape_cast %get3A_12 : vector<16x1x4096xf32> to vector<16x4096xf32>
    %iota3A = tpu.iota {dimensions = array<i32: 1>} : vector<16x4096xi32>
    %iota3A_14 = tpu.iota {dimensions = array<i32: 2>} : vector<16x3x1024xi32>
    %broadcast_in_dim3A = arith.constant 0x7F800000 : f32
    %broadcast_in_dim3A_15 = vector.broadcast %broadcast_in_dim3A : f32 to vector<16x4096xf32>
    %swap3A = arith.constant 0 : index
    %swap3A_16 = arith.constant 0 : index
    %swap3A_17 = vector.load %arg2[%swap3A, %swap3A_16] : memref<16x4096xf32, #tpu.memory_space<vmem>>, vector<16x4096xf32>
    tpu.vector_store %arg2[%swap3A, %swap3A_16], %broadcast_in_dim3A_15 {strides = array<i32>} : memref<16x4096xf32, #tpu.memory_space<vmem>>, vector<16x4096xf32>,
    %broadcast_in_dim3A_18 = arith.constant 0 : i32
    %broadcast_in_dim3A_19 = vector.broadcast %broadcast_in_dim3A_18 : i32 to vector<16x1xi32>
    %scan3A = arith.constant 0 : i32
    %scan3A_20 = arith.constant 1024 : i32
    %scan3A_21 = arith.addi %scan3A, %scan3A_20 : i32
    %scan3A_22 = arith.constant 1 : i32
    %scan3A_23 = scf.for %scan3A_25 = %scan3A to %scan3A_21 step %scan3A_22 iter_args(%scan3A_26 = %broadcast_in_dim3A_19) -> (vector<16x1xi32>)  : i32 {
      %eq3A = vector.broadcast %scan3A_26 : vector<16x1xi32> to vector<16x4096xi32>
      %eq3A_27 = arith.cmpi eq, %iota3A, %eq3A : vector<16x4096xi32>
      %jit3A = arith.constant 0.000000e+00 : f32
      %broadcast_in_dim3A_28 = vector.broadcast %jit3A : f32 to vector<16x4096xf32>
      %select_n3A = arith.select %eq3A_27, %get3A_3, %broadcast_in_dim3A_28 : vector<16x4096xi1>, vector<16x4096xf32>
      %reduce_sum3A = arith.constant dense<0.000000e+00> : vector<16xf32>
      %reduce_sum3A_29 = vector.multi_reduction <add>, %select_n3A, %reduce_sum3A [1] : vector<16x4096xf32> to vector<16xf32>
      %broadcast_in_dim3A_30 = vector.shape_cast %reduce_sum3A_29 : vector<16xf32> to vector<16x1xf32>
      %jit3A_31 = arith.constant 0.000000e+00 : f32
      %broadcast_in_dim3A_32 = vector.broadcast %jit3A_31 : f32 to vector<16x4096xf32>
      %select_n3A_33 = arith.select %eq3A_27, %get3A_8, %broadcast_in_dim3A_32 : vector<16x4096xi1>, vector<16x4096xf32>
      %reduce_sum3A_34 = arith.constant dense<0.000000e+00> : vector<16xf32>
      %reduce_sum3A_35 = vector.multi_reduction <add>, %select_n3A_33, %reduce_sum3A_34 [1] : vector<16x4096xf32> to vector<16xf32>
      %broadcast_in_dim3A_36 = vector.shape_cast %reduce_sum3A_35 : vector<16xf32> to vector<16x1xf32>
      %jit3A_37 = arith.constant 0.000000e+00 : f32
      %broadcast_in_dim3A_38 = vector.broadcast %jit3A_37 : f32 to vector<16x4096xf32>
      %select_n3A_39 = arith.select %eq3A_27, %get3A_13, %broadcast_in_dim3A_38 : vector<16x4096xi1>, vector<16x4096xf32>
      %reduce_sum3A_40 = arith.constant dense<0.000000e+00> : vector<16xf32>
      %reduce_sum3A_41 = vector.multi_reduction <add>, %select_n3A_39, %reduce_sum3A_40 [1] : vector<16x4096xf32> to vector<16xf32>
      %broadcast_in_dim3A_42 = vector.shape_cast %reduce_sum3A_41 : vector<16xf32> to vector<16x1xf32>
      %broadcast_in_dim3A_43 = vector.shape_cast %broadcast_in_dim3A_30 : vector<16x1xf32> to vector<16x1x1xf32>
      %broadcast_in_dim3A_44 = vector.shape_cast %broadcast_in_dim3A_36 : vector<16x1xf32> to vector<16x1x1xf32>
      %broadcast_in_dim3A_45 = vector.shape_cast %broadcast_in_dim3A_42 : vector<16x1xf32> to vector<16x1x1xf32>
      %concatenate3A = tpu.concatenate %broadcast_in_dim3A_43, %broadcast_in_dim3A_44, %broadcast_in_dim3A_45 in 1 : vector<16x1x1xf32>, vector<16x1x1xf32>, vector<16x1x1xf32> -> vector<16x3x1xf32>
      %eq3A_46 = vector.broadcast %scan3A_25 : i32 to vector<16x3x1024xi32>
      %eq3A_47 = arith.cmpi eq, %iota3A_14, %eq3A_46 : vector<16x3x1024xi32>
      %get3A_48 = arith.constant 0 : index
      %get3A_49 = arith.constant 0 : index
      %get3A_50 = arith.constant 0 : index
      %get3A_51 = vector.load %arg1[%get3A_48, %get3A_49, %get3A_50] : memref<16x3x1024xf32, #tpu.memory_space<vmem>>, vector<16x3x1024xf32>
      %broadcast_in_dim3A_52 = vector.shape_cast %concatenate3A : vector<16x3x1xf32> to vector<16x3x1xf32>
      %broadcast_in_dim3A_53 = vector.broadcast %broadcast_in_dim3A_52 : vector<16x3x1xf32> to vector<16x3x1024xf32>
      %select_n3A_54 = arith.select %eq3A_47, %broadcast_in_dim3A_53, %get3A_51 : vector<16x3x1024xi1>, vector<16x3x1024xf32>
      %swap3A_55 = arith.constant 0 : index
      %swap3A_56 = arith.constant 0 : index
      %swap3A_57 = arith.constant 0 : index
      %swap3A_58 = vector.load %arg1[%swap3A_55, %swap3A_56, %swap3A_57] : memref<16x3x1024xf32, #tpu.memory_space<vmem>>, vector<16x3x1024xf32>
      tpu.vector_store %arg1[%swap3A_55, %swap3A_56, %swap3A_57], %select_n3A_54 {strides = array<i32>} : memref<16x3x1024xf32, #tpu.memory_space<vmem>>, vector<16x3x1024xf32>,
      %sub3A = vector.broadcast %broadcast_in_dim3A_30 : vector<16x1xf32> to vector<16x4096xf32>
      %sub3A_59 = arith.subf %get3A_3, %sub3A : vector<16x4096xf32>
      %sub3A_60 = vector.broadcast %broadcast_in_dim3A_36 : vector<16x1xf32> to vector<16x4096xf32>
      %sub3A_61 = arith.subf %get3A_8, %sub3A_60 : vector<16x4096xf32>
      %sub3A_62 = vector.broadcast %broadcast_in_dim3A_42 : vector<16x1xf32> to vector<16x4096xf32>
      %sub3A_63 = arith.subf %get3A_13, %sub3A_62 : vector<16x4096xf32>
      %mul3A = arith.mulf %sub3A_59, %sub3A_59 : vector<16x4096xf32>
      %mul3A_64 = arith.constant 4.097000e+03 : f32
      %mul3A_65 = vector.broadcast %mul3A_64 : f32 to vector<16x4096xf32>
      %mul3A_66 = arith.mulf %sub3A_61, %mul3A_65 : vector<16x4096xf32>
      %sub3A_67 = arith.subf %mul3A_66, %sub3A_61 : vector<16x4096xf32>
      %sub3A_68 = arith.subf %mul3A_66, %sub3A_67 : vector<16x4096xf32>
      %sub3A_69 = arith.subf %sub3A_61, %sub3A_68 : vector<16x4096xf32>
      %mul3A_70 = arith.mulf %sub3A_61, %sub3A_61 : vector<16x4096xf32>
      %mul3A_71 = arith.mulf %sub3A_68, %sub3A_68 : vector<16x4096xf32>
      %sub3A_72 = arith.subf %mul3A_71, %mul3A_70 : vector<16x4096xf32>
      %mul3A_73 = arith.constant 2.000000e+00 : f32
      %mul3A_74 = vector.broadcast %mul3A_73 : f32 to vector<16x4096xf32>
      %mul3A_75 = arith.mulf %mul3A_74, %sub3A_68 : vector<16x4096xf32>
      %mul3A_76 = arith.mulf %mul3A_75, %sub3A_69 : vector<16x4096xf32>
      %add3A = arith.addf %sub3A_72, %mul3A_76 : vector<16x4096xf32>
      %mul3A_77 = arith.mulf %sub3A_69, %sub3A_69 : vector<16x4096xf32>
      %add3A_78 = arith.addf %add3A, %mul3A_77 : vector<16x4096xf32>
      %add3A_79 = arith.addf %mul3A, %mul3A_70 : vector<16x4096xf32>
      %sub3A_80 = arith.subf %add3A_79, %mul3A : vector<16x4096xf32>
      %sub3A_81 = arith.subf %add3A_79, %sub3A_80 : vector<16x4096xf32>
      %sub3A_82 = arith.subf %mul3A, %sub3A_81 : vector<16x4096xf32>
      %sub3A_83 = arith.subf %mul3A_70, %sub3A_80 : vector<16x4096xf32>
      %add3A_84 = arith.addf %sub3A_82, %sub3A_83 : vector<16x4096xf32>
      %add3A_85 = arith.addf %add3A_84, %add3A_78 : vector<16x4096xf32>
      %add3A_86 = arith.addf %add3A_79, %add3A_85 : vector<16x4096xf32>
      %mul3A_87 = arith.constant 4.097000e+03 : f32
      %mul3A_88 = vector.broadcast %mul3A_87 : f32 to vector<16x4096xf32>
      %mul3A_89 = arith.mulf %sub3A_63, %mul3A_88 : vector<16x4096xf32>
      %sub3A_90 = arith.subf %mul3A_89, %sub3A_63 : vector<16x4096xf32>
      %sub3A_91 = arith.subf %mul3A_89, %sub3A_90 : vector<16x4096xf32>
      %sub3A_92 = arith.subf %sub3A_63, %sub3A_91 : vector<16x4096xf32>
      %mul3A_93 = arith.mulf %sub3A_63, %sub3A_63 : vector<16x4096xf32>
      %mul3A_94 = arith.mulf %sub3A_91, %sub3A_91 : vector<16x4096xf32>
      %sub3A_95 = arith.subf %mul3A_94, %mul3A_93 : vector<16x4096xf32>
      %mul3A_96 = arith.constant 2.000000e+00 : f32
      %mul3A_97 = vector.broadcast %mul3A_96 : f32 to vector<16x4096xf32>
      %mul3A_98 = arith.mulf %mul3A_97, %sub3A_91 : vector<16x4096xf32>
      %mul3A_99 = arith.mulf %mul3A_98, %sub3A_92 : vector<16x4096xf32>
      %add3A_100 = arith.addf %sub3A_95, %mul3A_99 : vector<16x4096xf32>
      %mul3A_101 = arith.mulf %sub3A_92, %sub3A_92 : vector<16x4096xf32>
      %add3A_102 = arith.addf %add3A_100, %mul3A_101 : vector<16x4096xf32>
      %add3A_103 = arith.addf %add3A_86, %mul3A_93 : vector<16x4096xf32>
      %sub3A_104 = arith.subf %add3A_103, %add3A_86 : vector<16x4096xf32>
      %sub3A_105 = arith.subf %add3A_103, %sub3A_104 : vector<16x4096xf32>
      %sub3A_106 = arith.subf %add3A_86, %sub3A_105 : vector<16x4096xf32>
      %sub3A_107 = arith.subf %mul3A_93, %sub3A_104 : vector<16x4096xf32>
      %add3A_108 = arith.addf %sub3A_106, %sub3A_107 : vector<16x4096xf32>
      %add3A_109 = arith.addf %add3A_108, %add3A_102 : vector<16x4096xf32>
      %add3A_110 = arith.addf %add3A_103, %add3A_109 : vector<16x4096xf32>
      %get3A_111 = arith.constant 0 : index
      %get3A_112 = arith.constant 0 : index
      %get3A_113 = vector.load %arg2[%get3A_111, %get3A_112] : memref<16x4096xf32, #tpu.memory_space<vmem>>, vector<16x4096xf32>
      %min3A = arith.minimumf %get3A_113, %add3A_110 : vector<16x4096xf32>
      %swap3A_114 = arith.constant 0 : index
      %swap3A_115 = arith.constant 0 : index
      %swap3A_116 = vector.load %arg2[%swap3A_114, %swap3A_115] : memref<16x4096xf32, #tpu.memory_space<vmem>>, vector<16x4096xf32>
      tpu.vector_store %arg2[%swap3A_114, %swap3A_115], %min3A {strides = array<i32>} : memref<16x4096xf32, #tpu.memory_space<vmem>>, vector<16x4096xf32>,
      %argmax3A = tpu.reduce_index %min3A {axis = 1 : i32, kind = #tpu.reduction_kind<arg_max>} : vector<16x4096xf32> -> vector<16xi32>
      %broadcast_in_dim3A_117 = vector.shape_cast %argmax3A : vector<16xi32> to vector<16x1xi32>
      scf.yield %broadcast_in_dim3A_117 : vector<16x1xi32>
    }
    %scan3A_24 = arith.constant 1024 : i32
    return
  }
}

module attributes {stable_mosaic.version = 14 : i64} {
  func.func @_prep_body(%arg0: i32, %arg1: memref<1x4096x3xf32, #tpu.memory_space<vmem>>, %arg2: memref<1x4096x32xf32, #tpu.memory_space<vmem>>, %arg3: memref<1x4096x128xf32, #tpu.memory_space<vmem>>) attributes {dimension_semantics = [#tpu.dimension_semantics<arbitrary>], iteration_bounds = array<i64: 16>, scalar_prefetch = 0 : i64, scratch_operands = 0 : i64, tpu.core_type = #tpu.core_type<tc>, window_params = [{transform_indices = @transform_0, window_bounds = array<i64: 1, 4096, 3>}, {transform_indices = @transform_1, window_bounds = array<i64: 1, 4096, 32>}, {transform_indices = @transform_2, window_bounds = array<i64: 1, 4096, 128>}]} {
    %get3A = arith.constant 0 : index
    %get3A_0 = arith.constant 0 : index
    %get3A_1 = arith.constant 0 : index
    %get3A_2 = vector.load %arg1[%get3A, %get3A_0, %get3A_1] : memref<1x4096x3xf32, #tpu.memory_space<vmem>>, vector<1x4096x3xf32>
    %get3A_3 = vector.shape_cast %get3A_2 : vector<1x4096x3xf32> to vector<4096x3xf32>
    %broadcast_in_dim3A = arith.constant 0.000000e+00 : f32
    %broadcast_in_dim3A_4 = vector.broadcast %broadcast_in_dim3A : f32 to vector<4096x13xf32>
    %concatenate3A = tpu.concatenate %get3A_3, %broadcast_in_dim3A_4 in 1 : vector<4096x3xf32>, vector<4096x13xf32> -> vector<4096x16xf32>
    %swap3A = arith.constant 0 : index
    %swap3A_5 = arith.constant 0 : index
    %swap3A_6 = arith.constant 0 : index
    %swap3A_7 = vector.load %arg3[%swap3A, %swap3A_5, %swap3A_6] : memref<1x4096x128xf32, #tpu.memory_space<vmem>>, vector<1x4096x16xf32>
    %swap3A_8 = vector.shape_cast %swap3A_7 : vector<1x4096x16xf32> to vector<4096x16xf32>
    %swap3A_9 = vector.shape_cast %concatenate3A : vector<4096x16xf32> to vector<1x4096x16xf32>
    tpu.vector_store %arg3[%swap3A, %swap3A_5, %swap3A_6], %swap3A_9 {strides = array<i32>} : memref<1x4096x128xf32, #tpu.memory_space<vmem>>, vector<1x4096x16xf32>,
    %get3A_10 = arith.constant 0 : index
    %get3A_11 = arith.constant 0 : index
    %get3A_12 = arith.constant 0 : index
    %get3A_13 = vector.load %arg2[%get3A_10, %get3A_11, %get3A_12] : memref<1x4096x32xf32, #tpu.memory_space<vmem>>, vector<1x4096x32xf32>
    %get3A_14 = vector.shape_cast %get3A_13 : vector<1x4096x32xf32> to vector<4096x32xf32>
    %swap3A_15 = arith.constant 0 : index
    %swap3A_16 = arith.constant 0 : index
    %swap3A_17 = arith.constant 16 : index
    %swap3A_18 = vector.load %arg3[%swap3A_15, %swap3A_16, %swap3A_17] : memref<1x4096x128xf32, #tpu.memory_space<vmem>>, vector<1x4096x32xf32>
    %swap3A_19 = vector.shape_cast %swap3A_18 : vector<1x4096x32xf32> to vector<4096x32xf32>
    %swap3A_20 = vector.shape_cast %get3A_14 : vector<4096x32xf32> to vector<1x4096x32xf32>
    tpu.vector_store %arg3[%swap3A_15, %swap3A_16, %swap3A_17], %swap3A_20 {strides = array<i32>} : memref<1x4096x128xf32, #tpu.memory_space<vmem>>, vector<1x4096x32xf32>,
    return
  }
  func.func @transform_0(%arg0: i32) -> (i32, i32, i32) {
    %c0_i32 = arith.constant 0 : i32
    %c0_i32_0 = arith.constant 0 : i32
    %c0_i32_1 = arith.constant 0 : i32
    return %arg0, %c0_i32, %c0_i32_0 : i32, i32, i32
  }
  func.func @transform_1(%arg0: i32) -> (i32, i32, i32) {
    %c0_i32 = arith.constant 0 : i32
    %c0_i32_0 = arith.constant 0 : i32
    %c0_i32_1 = arith.constant 0 : i32
    return %arg0, %c0_i32, %c0_i32_0 : i32, i32, i32
  }
  func.func @transform_2(%arg0: i32) -> (i32, i32, i32) {
    %c0_i32 = arith.constant 0 : i32
    %c0_i32_0 = arith.constant 0 : i32
    %c0_i32_1 = arith.constant 0 : i32
    return %arg0, %c0_i32, %c0_i32_0 : i32, i32, i32
  }
}

module attributes {stable_mosaic.version = 14 : i64} {
  func.func @_pass1_body(%arg0: i32, %arg1: memref<1x256x32x128xf32, #tpu.memory_space<vmem>>, %arg2: memref<1x256x3xf32, #tpu.memory_space<vmem>>, %arg3: memref<48x32xbf16, #tpu.memory_space<vmem>>, %arg4: memref<1x32xf32, #tpu.memory_space<vmem>>, %arg5: memref<2x32xf32, #tpu.memory_space<vmem>>) attributes {dimension_semantics = [#tpu.dimension_semantics<arbitrary>], iteration_bounds = array<i64: 64>, scalar_prefetch = 0 : i64, scratch_operands = 0 : i64, tpu.core_type = #tpu.core_type<tc>, window_params = [{transform_indices = @transform_0, window_bounds = array<i64: 1, 256, 32, 128>}, {transform_indices = @transform_1, window_bounds = array<i64: 1, 256, 3>}, {pipeline_mode = #tpu.pipeline_mode<synchronous>, transform_indices = @transform_2, window_bounds = array<i64: 48, 32>}, {pipeline_mode = #tpu.pipeline_mode<synchronous>, transform_indices = @transform_3, window_bounds = array<i64: 1, 32>}, {pipeline_mode = #tpu.pipeline_mode<synchronous>, transform_indices = @transform_4, window_bounds = array<i64: 2, 32>}]} {
    %get3A = arith.constant 0 : index
    %get3A_0 = arith.constant 0 : index
    %get3A_1 = arith.constant 0 : index
    %get3A_2 = arith.constant 0 : index
    %get3A_3 = vector.load %arg1[%get3A, %get3A_0, %get3A_1, %get3A_2] : memref<1x256x32x128xf32, #tpu.memory_space<vmem>>, vector<1x256x32x128xf32>
    %get3A_4 = vector.shape_cast %get3A_3 : vector<1x256x32x128xf32> to vector<256x32x128xf32>
    %slice3A = vector.extract_strided_slice %get3A_4 {offsets = [0, 0, 0], sizes = [256, 32, 48], strides = [1, 1, 1]} : vector<256x32x128xf32> to vector<256x32x48xf32>
    %get3A_5 = arith.constant 0 : index
    %get3A_6 = arith.constant 0 : index
    %get3A_7 = arith.constant 0 : index
    %get3A_8 = vector.load %arg2[%get3A_5, %get3A_6, %get3A_7] : memref<1x256x3xf32, #tpu.memory_space<vmem>>, vector<1x256x3xf32>
    %get3A_9 = vector.shape_cast %get3A_8 : vector<1x256x3xf32> to vector<256x3xf32>
    %broadcast_in_dim3A = arith.constant 0.000000e+00 : f32
    %broadcast_in_dim3A_10 = vector.broadcast %broadcast_in_dim3A : f32 to vector<256x45xf32>
    %concatenate3A = tpu.concatenate %get3A_9, %broadcast_in_dim3A_10 in 1 : vector<256x3xf32>, vector<256x45xf32> -> vector<256x48xf32>
    %broadcast_in_dim3A_11 = vector.shape_cast %concatenate3A : vector<256x48xf32> to vector<256x1x48xf32>
    %sub3A = vector.broadcast %broadcast_in_dim3A_11 : vector<256x1x48xf32> to vector<256x32x48xf32>
    %sub3A_12 = arith.subf %slice3A, %sub3A : vector<256x32x48xf32>
    %reshape3A = vector.shape_cast %sub3A_12 : vector<256x32x48xf32> to vector<8192x48xf32>
    %convert_element_type3A = arith.truncf %reshape3A : vector<8192x48xf32> to vector<8192x48xbf16>
    %get3A_13 = arith.constant 0 : index
    %get3A_14 = arith.constant 0 : index
    %get3A_15 = vector.load %arg3[%get3A_13, %get3A_14] : memref<48x32xbf16, #tpu.memory_space<vmem>>, vector<48x32xbf16>
    %dot_general3A = arith.constant dense<0.000000e+00> : vector<8192x32xf32>
    %dot_general3A_16 = tpu.matmul %convert_element_type3A, %get3A_15, %dot_general3A {dimension_numbers = #tpu.dot_dimension_numbers<[1], [0], [0], [1], [0, 0, 1, 1], [], []>, transpose_lhs_hint = false} : vector<8192x48xbf16>, vector<48x32xbf16>, vector<8192x32xf32> -> vector<8192x32xf32>
    %get3A_17 = arith.constant 0 : index
    %get3A_18 = arith.constant 0 : index
    %get3A_19 = vector.load %arg4[%get3A_17, %get3A_18] : memref<1x32xf32, #tpu.memory_space<vmem>>, vector<1x32xf32>
    %add3A = vector.broadcast %get3A_19 : vector<1x32xf32> to vector<8192x32xf32>
    %add3A_20 = arith.addf %dot_general3A_16, %add3A : vector<8192x32xf32>
    %reduce_sum3A = arith.constant dense<0.000000e+00> : vector<32xf32>
    %reduce_sum3A_21 = vector.multi_reduction <add>, %add3A_20, %reduce_sum3A [0] : vector<8192x32xf32> to vector<32xf32>
    %broadcast_in_dim3A_22 = vector.shape_cast %reduce_sum3A_21 : vector<32xf32> to vector<1x32xf32>
    %mul3A = arith.mulf %add3A_20, %add3A_20 : vector<8192x32xf32>
    %reduce_sum3A_23 = arith.constant dense<0.000000e+00> : vector<32xf32>
    %reduce_sum3A_24 = vector.multi_reduction <add>, %mul3A, %reduce_sum3A_23 [0] : vector<8192x32xf32> to vector<32xf32>
    %broadcast_in_dim3A_25 = vector.shape_cast %reduce_sum3A_24 : vector<32xf32> to vector<1x32xf32>
    %concatenate3A_26 = tpu.concatenate %broadcast_in_dim3A_22, %broadcast_in_dim3A_25 in 0 : vector<1x32xf32>, vector<1x32xf32> -> vector<2x32xf32>
    %eq3A = arith.constant 0 : i32
    %eq3A_27 = arith.cmpi eq, %arg0, %eq3A : i32
    %convert_element_type3A_28 = arith.extui %eq3A_27 : i1 to i32
    %cond3A = arith.constant 0 : i32
    %cond3A_29 = arith.cmpi ne, %convert_element_type3A_28, %cond3A : i32
    scf.if %cond3A_29 {
      %broadcast_in_dim3A_36 = arith.constant 0.000000e+00 : f32
      %broadcast_in_dim3A_37 = vector.broadcast %broadcast_in_dim3A_36 : f32 to vector<2x32xf32>
      %swap3A_38 = arith.constant 0 : index
      %swap3A_39 = arith.constant 0 : index
      %swap3A_40 = vector.load %arg5[%swap3A_38, %swap3A_39] : memref<2x32xf32, #tpu.memory_space<vmem>>, vector<2x32xf32>
      tpu.vector_store %arg5[%swap3A_38, %swap3A_39], %broadcast_in_dim3A_37 {strides = array<i32>} : memref<2x32xf32, #tpu.memory_space<vmem>>, vector<2x32xf32>,
    } else {
    }
    %get3A_30 = arith.constant 0 : index
    %get3A_31 = arith.constant 0 : index
    %get3A_32 = vector.load %arg5[%get3A_30, %get3A_31] : memref<2x32xf32, #tpu.memory_space<vmem>>, vector<2x32xf32>
    %add3A_33 = arith.addf %get3A_32, %concatenate3A_26 : vector<2x32xf32>
    %swap3A = arith.constant 0 : index
    %swap3A_34 = arith.constant 0 : index
    %swap3A_35 = vector.load %arg5[%swap3A, %swap3A_34] : memref<2x32xf32, #tpu.memory_space<vmem>>, vector<2x32xf32>
    tpu.vector_store %arg5[%swap3A, %swap3A_34], %add3A_33 {strides = array<i32>} : memref<2x32xf32, #tpu.memory_space<vmem>>, vector<2x32xf32>,
    return
  }
  func.func @transform_0(%arg0: i32) -> (i32, i32, i32, i32) {
    %jit3A = arith.constant 4 : i32
    %div3A = arith.divsi %arg0, %jit3A : i32
    %sign3A = arith.constant 0 : i32
    %sign3A_0 = arith.cmpi sgt, %arg0, %sign3A : i32
    %sign3A_1 = arith.extui %sign3A_0 : i1 to i32
    %sign3A_2 = arith.constant 0 : i32
    %sign3A_3 = arith.cmpi slt, %arg0, %sign3A_2 : i32
    %sign3A_4 = arith.extui %sign3A_3 : i1 to i32
    %sign3A_5 = arith.subi %sign3A_1, %sign3A_4 : i32
    %sign3A_6 = arith.constant 0 : i32
    %sign3A_7 = arith.cmpi sgt, %jit3A, %sign3A_6 : i32
    %sign3A_8 = arith.extui %sign3A_7 : i1 to i32
    %sign3A_9 = arith.constant 0 : i32
    %sign3A_10 = arith.cmpi slt, %jit3A, %sign3A_9 : i32
    %sign3A_11 = arith.extui %sign3A_10 : i1 to i32
    %sign3A_12 = arith.subi %sign3A_8, %sign3A_11 : i32
    %ne3A = arith.cmpi ne, %sign3A_5, %sign3A_12 : i32
    %rem3A = arith.remsi %arg0, %jit3A : i32
    %ne3A_13 = arith.constant 0 : i32
    %ne3A_14 = arith.cmpi ne, %rem3A, %ne3A_13 : i32
    %and3A = arith.andi %ne3A, %ne3A_14 : i1
    %sub3A = arith.constant 1 : i32
    %sub3A_15 = arith.subi %div3A, %sub3A : i32
    %select_n3A = arith.select %and3A, %sub3A_15, %div3A : i32
    %jit3A_16 = arith.constant 4 : i32
    %eq3A = arith.constant 0 : i32
    %eq3A_17 = arith.cmpi eq, %jit3A_16, %eq3A : i32
    %jit3A_18 = arith.constant 1 : i32
    %select_n3A_19 = arith.select %eq3A_17, %jit3A_18, %jit3A_16 : i32
    %rem3A_20 = arith.remsi %arg0, %select_n3A_19 : i32
    %ne3A_21 = arith.constant 0 : i32
    %ne3A_22 = arith.cmpi ne, %rem3A_20, %ne3A_21 : i32
    %lt3A = arith.constant 0 : i32
    %lt3A_23 = arith.cmpi slt, %rem3A_20, %lt3A : i32
    %lt3A_24 = arith.constant 0 : i32
    %lt3A_25 = arith.cmpi slt, %select_n3A_19, %lt3A_24 : i32
    %ne3A_26 = arith.xori %lt3A_23, %lt3A_25 : i1
    %and3A_27 = arith.andi %ne3A_26, %ne3A_22 : i1
    %add3A = arith.addi %rem3A_20, %select_n3A_19 : i32
    %select_n3A_28 = arith.select %and3A_27, %add3A, %rem3A_20 : i32
    %c0_i32 = arith.constant 0 : i32
    %c0_i32_29 = arith.constant 0 : i32
    %c0_i32_30 = arith.constant 0 : i32
    return %select_n3A, %select_n3A_28, %c0_i32, %c0_i32_29 : i32, i32, i32, i32
  }
  func.func @transform_1(%arg0: i32) -> (i32, i32, i32) {
    %jit3A = arith.constant 4 : i32
    %div3A = arith.divsi %arg0, %jit3A : i32
    %sign3A = arith.constant 0 : i32
    %sign3A_0 = arith.cmpi sgt, %arg0, %sign3A : i32
    %sign3A_1 = arith.extui %sign3A_0 : i1 to i32
    %sign3A_2 = arith.constant 0 : i32
    %sign3A_3 = arith.cmpi slt, %arg0, %sign3A_2 : i32
    %sign3A_4 = arith.extui %sign3A_3 : i1 to i32
    %sign3A_5 = arith.subi %sign3A_1, %sign3A_4 : i32
    %sign3A_6 = arith.constant 0 : i32
    %sign3A_7 = arith.cmpi sgt, %jit3A, %sign3A_6 : i32
    %sign3A_8 = arith.extui %sign3A_7 : i1 to i32
    %sign3A_9 = arith.constant 0 : i32
    %sign3A_10 = arith.cmpi slt, %jit3A, %sign3A_9 : i32
    %sign3A_11 = arith.extui %sign3A_10 : i1 to i32
    %sign3A_12 = arith.subi %sign3A_8, %sign3A_11 : i32
    %ne3A = arith.cmpi ne, %sign3A_5, %sign3A_12 : i32
    %rem3A = arith.remsi %arg0, %jit3A : i32
    %ne3A_13 = arith.constant 0 : i32
    %ne3A_14 = arith.cmpi ne, %rem3A, %ne3A_13 : i32
    %and3A = arith.andi %ne3A, %ne3A_14 : i1
    %sub3A = arith.constant 1 : i32
    %sub3A_15 = arith.subi %div3A, %sub3A : i32
    %select_n3A = arith.select %and3A, %sub3A_15, %div3A : i32
    %jit3A_16 = arith.constant 4 : i32
    %eq3A = arith.constant 0 : i32
    %eq3A_17 = arith.cmpi eq, %jit3A_16, %eq3A : i32
    %jit3A_18 = arith.constant 1 : i32
    %select_n3A_19 = arith.select %eq3A_17, %jit3A_18, %jit3A_16 : i32
    %rem3A_20 = arith.remsi %arg0, %select_n3A_19 : i32
    %ne3A_21 = arith.constant 0 : i32
    %ne3A_22 = arith.cmpi ne, %rem3A_20, %ne3A_21 : i32
    %lt3A = arith.constant 0 : i32
    %lt3A_23 = arith.cmpi slt, %rem3A_20, %lt3A : i32
    %lt3A_24 = arith.constant 0 : i32
    %lt3A_25 = arith.cmpi slt, %select_n3A_19, %lt3A_24 : i32
    %ne3A_26 = arith.xori %lt3A_23, %lt3A_25 : i1
    %and3A_27 = arith.andi %ne3A_26, %ne3A_22 : i1
    %add3A = arith.addi %rem3A_20, %select_n3A_19 : i32
    %select_n3A_28 = arith.select %and3A_27, %add3A, %rem3A_20 : i32
    %c0_i32 = arith.constant 0 : i32
    %c0_i32_29 = arith.constant 0 : i32
    return %select_n3A, %select_n3A_28, %c0_i32 : i32, i32, i32
  }
  func.func @transform_2(%arg0: i32) -> (i32, i32) {
    %c0_i32 = arith.constant 0 : i32
    %c0_i32_0 = arith.constant 0 : i32
    %c0_i32_1 = arith.constant 0 : i32
    return %c0_i32, %c0_i32_0 : i32, i32
  }
  func.func @transform_3(%arg0: i32) -> (i32, i32) {
    %c0_i32 = arith.constant 0 : i32
    %c0_i32_0 = arith.constant 0 : i32
    %c0_i32_1 = arith.constant 0 : i32
    return %c0_i32, %c0_i32_0 : i32, i32
  }
  func.func @transform_4(%arg0: i32) -> (i32, i32) {
    %c0_i32 = arith.constant 0 : i32
    %c0_i32_0 = arith.constant 0 : i32
    %c0_i32_1 = arith.constant 0 : i32
    return %c0_i32, %c0_i32_0 : i32, i32
  }
}

module attributes {stable_mosaic.version = 14 : i64} {
  func.func @_pass2_body(%arg0: i32, %arg1: memref<1x256x32x128xf32, #tpu.memory_space<vmem>>, %arg2: memref<1x256x3xf32, #tpu.memory_space<vmem>>, %arg3: memref<48x32xbf16, #tpu.memory_space<vmem>>, %arg4: memref<1x32xf32, #tpu.memory_space<vmem>>, %arg5: memref<1x32xf32, #tpu.memory_space<vmem>>, %arg6: memref<1x32xf32, #tpu.memory_space<vmem>>, %arg7: memref<32x32xbf16, #tpu.memory_space<vmem>>, %arg8: memref<1x32xf32, #tpu.memory_space<vmem>>, %arg9: memref<2x32xf32, #tpu.memory_space<vmem>>) attributes {dimension_semantics = [#tpu.dimension_semantics<arbitrary>], iteration_bounds = array<i64: 64>, scalar_prefetch = 0 : i64, scratch_operands = 0 : i64, tpu.core_type = #tpu.core_type<tc>, window_params = [{transform_indices = @transform_0, window_bounds = array<i64: 1, 256, 32, 128>}, {transform_indices = @transform_1, window_bounds = array<i64: 1, 256, 3>}, {pipeline_mode = #tpu.pipeline_mode<synchronous>, transform_indices = @transform_2, window_bounds = array<i64: 48, 32>}, {pipeline_mode = #tpu.pipeline_mode<synchronous>, transform_indices = @transform_3, window_bounds = array<i64: 1, 32>}, {pipeline_mode = #tpu.pipeline_mode<synchronous>, transform_indices = @transform_4, window_bounds = array<i64: 1, 32>}, {pipeline_mode = #tpu.pipeline_mode<synchronous>, transform_indices = @transform_5, window_bounds = array<i64: 1, 32>}, {pipeline_mode = #tpu.pipeline_mode<synchronous>, transform_indices = @transform_6, window_bounds = array<i64: 32, 32>}, {pipeline_mode = #tpu.pipeline_mode<synchronous>, transform_indices = @transform_7, window_bounds = array<i64: 1, 32>}, {pipeline_mode = #tpu.pipeline_mode<synchronous>, transform_indices = @transform_8, window_bounds = array<i64: 2, 32>}]} {
    %get3A = arith.constant 0 : index
    %get3A_0 = arith.constant 0 : index
    %get3A_1 = arith.constant 0 : index
    %get3A_2 = arith.constant 0 : index
    %get3A_3 = vector.load %arg1[%get3A, %get3A_0, %get3A_1, %get3A_2] : memref<1x256x32x128xf32, #tpu.memory_space<vmem>>, vector<1x256x32x128xf32>
    %get3A_4 = vector.shape_cast %get3A_3 : vector<1x256x32x128xf32> to vector<256x32x128xf32>
    %slice3A = vector.extract_strided_slice %get3A_4 {offsets = [0, 0, 0], sizes = [256, 32, 48], strides = [1, 1, 1]} : vector<256x32x128xf32> to vector<256x32x48xf32>
    %get3A_5 = arith.constant 0 : index
    %get3A_6 = arith.constant 0 : index
    %get3A_7 = arith.constant 0 : index
    %get3A_8 = vector.load %arg2[%get3A_5, %get3A_6, %get3A_7] : memref<1x256x3xf32, #tpu.memory_space<vmem>>, vector<1x256x3xf32>
    %get3A_9 = vector.shape_cast %get3A_8 : vector<1x256x3xf32> to vector<256x3xf32>
    %broadcast_in_dim3A = arith.constant 0.000000e+00 : f32
    %broadcast_in_dim3A_10 = vector.broadcast %broadcast_in_dim3A : f32 to vector<256x45xf32>
    %concatenate3A = tpu.concatenate %get3A_9, %broadcast_in_dim3A_10 in 1 : vector<256x3xf32>, vector<256x45xf32> -> vector<256x48xf32>
    %broadcast_in_dim3A_11 = vector.shape_cast %concatenate3A : vector<256x48xf32> to vector<256x1x48xf32>
    %sub3A = vector.broadcast %broadcast_in_dim3A_11 : vector<256x1x48xf32> to vector<256x32x48xf32>
    %sub3A_12 = arith.subf %slice3A, %sub3A : vector<256x32x48xf32>
    %reshape3A = vector.shape_cast %sub3A_12 : vector<256x32x48xf32> to vector<8192x48xf32>
    %convert_element_type3A = arith.truncf %reshape3A : vector<8192x48xf32> to vector<8192x48xbf16>
    %get3A_13 = arith.constant 0 : index
    %get3A_14 = arith.constant 0 : index
    %get3A_15 = vector.load %arg3[%get3A_13, %get3A_14] : memref<48x32xbf16, #tpu.memory_space<vmem>>, vector<48x32xbf16>
    %dot_general3A = arith.constant dense<0.000000e+00> : vector<8192x32xf32>
    %dot_general3A_16 = tpu.matmul %convert_element_type3A, %get3A_15, %dot_general3A {dimension_numbers = #tpu.dot_dimension_numbers<[1], [0], [0], [1], [0, 0, 1, 1], [], []>, transpose_lhs_hint = false} : vector<8192x48xbf16>, vector<48x32xbf16>, vector<8192x32xf32> -> vector<8192x32xf32>
    %get3A_17 = arith.constant 0 : index
    %get3A_18 = arith.constant 0 : index
    %get3A_19 = vector.load %arg4[%get3A_17, %get3A_18] : memref<1x32xf32, #tpu.memory_space<vmem>>, vector<1x32xf32>
    %add3A = vector.broadcast %get3A_19 : vector<1x32xf32> to vector<8192x32xf32>
    %add3A_20 = arith.addf %dot_general3A_16, %add3A : vector<8192x32xf32>
    %get3A_21 = arith.constant 0 : index
    %get3A_22 = arith.constant 0 : index
    %get3A_23 = vector.load %arg5[%get3A_21, %get3A_22] : memref<1x32xf32, #tpu.memory_space<vmem>>, vector<1x32xf32>
    %mul3A = vector.broadcast %get3A_23 : vector<1x32xf32> to vector<8192x32xf32>
    %mul3A_24 = arith.mulf %add3A_20, %mul3A : vector<8192x32xf32>
    %get3A_25 = arith.constant 0 : index
    %get3A_26 = arith.constant 0 : index
    %get3A_27 = vector.load %arg6[%get3A_25, %get3A_26] : memref<1x32xf32, #tpu.memory_space<vmem>>, vector<1x32xf32>
    %add3A_28 = vector.broadcast %get3A_27 : vector<1x32xf32> to vector<8192x32xf32>
    %add3A_29 = arith.addf %mul3A_24, %add3A_28 : vector<8192x32xf32>
    %max3A = arith.constant 0.000000e+00 : f32
    %max3A_30 = vector.broadcast %max3A : f32 to vector<8192x32xf32>
    %max3A_31 = arith.maximumf %add3A_29, %max3A_30 : vector<8192x32xf32>
    %convert_element_type3A_32 = arith.truncf %max3A_31 : vector<8192x32xf32> to vector<8192x32xbf16>
    %get3A_33 = arith.constant 0 : index
    %get3A_34 = arith.constant 0 : index
    %get3A_35 = vector.load %arg7[%get3A_33, %get3A_34] : memref<32x32xbf16, #tpu.memory_space<vmem>>, vector<32x32xbf16>
    %dot_general3A_36 = arith.constant dense<0.000000e+00> : vector<8192x32xf32>
    %dot_general3A_37 = tpu.matmul %convert_element_type3A_32, %get3A_35, %dot_general3A_36 {dimension_numbers = #tpu.dot_dimension_numbers<[1], [1], [0], [0], [0, 0, 1, 0], [], []>, transpose_lhs_hint = false} : vector<8192x32xbf16>, vector<32x32xbf16>, vector<8192x32xf32> -> vector<8192x32xf32>
    %get3A_38 = arith.constant 0 : index
    %get3A_39 = arith.constant 0 : index
    %get3A_40 = vector.load %arg8[%get3A_38, %get3A_39] : memref<1x32xf32, #tpu.memory_space<vmem>>, vector<1x32xf32>
    %add3A_41 = vector.broadcast %get3A_40 : vector<1x32xf32> to vector<8192x32xf32>
    %add3A_42 = arith.addf %dot_general3A_37, %add3A_41 : vector<8192x32xf32>
    %reduce_sum3A = arith.constant dense<0.000000e+00> : vector<32xf32>
    %reduce_sum3A_43 = vector.multi_reduction <add>, %add3A_42, %reduce_sum3A [0] : vector<8192x32xf32> to vector<32xf32>
    %broadcast_in_dim3A_44 = vector.shape_cast %reduce_sum3A_43 : vector<32xf32> to vector<1x32xf32>
    %mul3A_45 = arith.mulf %add3A_42, %add3A_42 : vector<8192x32xf32>
    %reduce_sum3A_46 = arith.constant dense<0.000000e+00> : vector<32xf32>
    %reduce_sum3A_47 = vector.multi_reduction <add>, %mul3A_45, %reduce_sum3A_46 [0] : vector<8192x32xf32> to vector<32xf32>
    %broadcast_in_dim3A_48 = vector.shape_cast %reduce_sum3A_47 : vector<32xf32> to vector<1x32xf32>
    %concatenate3A_49 = tpu.concatenate %broadcast_in_dim3A_44, %broadcast_in_dim3A_48 in 0 : vector<1x32xf32>, vector<1x32xf32> -> vector<2x32xf32>
    %eq3A = arith.constant 0 : i32
    %eq3A_50 = arith.cmpi eq, %arg0, %eq3A : i32
    %convert_element_type3A_51 = arith.extui %eq3A_50 : i1 to i32
    %cond3A = arith.constant 0 : i32
    %cond3A_52 = arith.cmpi ne, %convert_element_type3A_51, %cond3A : i32
    scf.if %cond3A_52 {
      %broadcast_in_dim3A_59 = arith.constant 0.000000e+00 : f32
      %broadcast_in_dim3A_60 = vector.broadcast %broadcast_in_dim3A_59 : f32 to vector<2x32xf32>
      %swap3A_61 = arith.constant 0 : index
      %swap3A_62 = arith.constant 0 : index
      %swap3A_63 = vector.load %arg9[%swap3A_61, %swap3A_62] : memref<2x32xf32, #tpu.memory_space<vmem>>, vector<2x32xf32>
      tpu.vector_store %arg9[%swap3A_61, %swap3A_62], %broadcast_in_dim3A_60 {strides = array<i32>} : memref<2x32xf32, #tpu.memory_space<vmem>>, vector<2x32xf32>,
    } else {
    }
    %get3A_53 = arith.constant 0 : index
    %get3A_54 = arith.constant 0 : index
    %get3A_55 = vector.load %arg9[%get3A_53, %get3A_54] : memref<2x32xf32, #tpu.memory_space<vmem>>, vector<2x32xf32>
    %add3A_56 = arith.addf %get3A_55, %concatenate3A_49 : vector<2x32xf32>
    %swap3A = arith.constant 0 : index
    %swap3A_57 = arith.constant 0 : index
    %swap3A_58 = vector.load %arg9[%swap3A, %swap3A_57] : memref<2x32xf32, #tpu.memory_space<vmem>>, vector<2x32xf32>
    tpu.vector_store %arg9[%swap3A, %swap3A_57], %add3A_56 {strides = array<i32>} : memref<2x32xf32, #tpu.memory_space<vmem>>, vector<2x32xf32>,
    return
  }
  func.func @transform_0(%arg0: i32) -> (i32, i32, i32, i32) {
    %jit3A = arith.constant 4 : i32
    %div3A = arith.divsi %arg0, %jit3A : i32
    %sign3A = arith.constant 0 : i32
    %sign3A_0 = arith.cmpi sgt, %arg0, %sign3A : i32
    %sign3A_1 = arith.extui %sign3A_0 : i1 to i32
    %sign3A_2 = arith.constant 0 : i32
    %sign3A_3 = arith.cmpi slt, %arg0, %sign3A_2 : i32
    %sign3A_4 = arith.extui %sign3A_3 : i1 to i32
    %sign3A_5 = arith.subi %sign3A_1, %sign3A_4 : i32
    %sign3A_6 = arith.constant 0 : i32
    %sign3A_7 = arith.cmpi sgt, %jit3A, %sign3A_6 : i32
    %sign3A_8 = arith.extui %sign3A_7 : i1 to i32
    %sign3A_9 = arith.constant 0 : i32
    %sign3A_10 = arith.cmpi slt, %jit3A, %sign3A_9 : i32
    %sign3A_11 = arith.extui %sign3A_10 : i1 to i32
    %sign3A_12 = arith.subi %sign3A_8, %sign3A_11 : i32
    %ne3A = arith.cmpi ne, %sign3A_5, %sign3A_12 : i32
    %rem3A = arith.remsi %arg0, %jit3A : i32
    %ne3A_13 = arith.constant 0 : i32
    %ne3A_14 = arith.cmpi ne, %rem3A, %ne3A_13 : i32
    %and3A = arith.andi %ne3A, %ne3A_14 : i1
    %sub3A = arith.constant 1 : i32
    %sub3A_15 = arith.subi %div3A, %sub3A : i32
    %select_n3A = arith.select %and3A, %sub3A_15, %div3A : i32
    %jit3A_16 = arith.constant 4 : i32
    %eq3A = arith.constant 0 : i32
    %eq3A_17 = arith.cmpi eq, %jit3A_16, %eq3A : i32
    %jit3A_18 = arith.constant 1 : i32
    %select_n3A_19 = arith.select %eq3A_17, %jit3A_18, %jit3A_16 : i32
    %rem3A_20 = arith.remsi %arg0, %select_n3A_19 : i32
    %ne3A_21 = arith.constant 0 : i32
    %ne3A_22 = arith.cmpi ne, %rem3A_20, %ne3A_21 : i32
    %lt3A = arith.constant 0 : i32
    %lt3A_23 = arith.cmpi slt, %rem3A_20, %lt3A : i32
    %lt3A_24 = arith.constant 0 : i32
    %lt3A_25 = arith.cmpi slt, %select_n3A_19, %lt3A_24 : i32
    %ne3A_26 = arith.xori %lt3A_23, %lt3A_25 : i1
    %and3A_27 = arith.andi %ne3A_26, %ne3A_22 : i1
    %add3A = arith.addi %rem3A_20, %select_n3A_19 : i32
    %select_n3A_28 = arith.select %and3A_27, %add3A, %rem3A_20 : i32
    %c0_i32 = arith.constant 0 : i32
    %c0_i32_29 = arith.constant 0 : i32
    %c0_i32_30 = arith.constant 0 : i32
    return %select_n3A, %select_n3A_28, %c0_i32, %c0_i32_29 : i32, i32, i32, i32
  }
  func.func @transform_1(%arg0: i32) -> (i32, i32, i32) {
    %jit3A = arith.constant 4 : i32
    %div3A = arith.divsi %arg0, %jit3A : i32
    %sign3A = arith.constant 0 : i32
    %sign3A_0 = arith.cmpi sgt, %arg0, %sign3A : i32
    %sign3A_1 = arith.extui %sign3A_0 : i1 to i32
    %sign3A_2 = arith.constant 0 : i32
    %sign3A_3 = arith.cmpi slt, %arg0, %sign3A_2 : i32
    %sign3A_4 = arith.extui %sign3A_3 : i1 to i32
    %sign3A_5 = arith.subi %sign3A_1, %sign3A_4 : i32
    %sign3A_6 = arith.constant 0 : i32
    %sign3A_7 = arith.cmpi sgt, %jit3A, %sign3A_6 : i32
    %sign3A_8 = arith.extui %sign3A_7 : i1 to i32
    %sign3A_9 = arith.constant 0 : i32
    %sign3A_10 = arith.cmpi slt, %jit3A, %sign3A_9 : i32
    %sign3A_11 = arith.extui %sign3A_10 : i1 to i32
    %sign3A_12 = arith.subi %sign3A_8, %sign3A_11 : i32
    %ne3A = arith.cmpi ne, %sign3A_5, %sign3A_12 : i32
    %rem3A = arith.remsi %arg0, %jit3A : i32
    %ne3A_13 = arith.constant 0 : i32
    %ne3A_14 = arith.cmpi ne, %rem3A, %ne3A_13 : i32
    %and3A = arith.andi %ne3A, %ne3A_14 : i1
    %sub3A = arith.constant 1 : i32
    %sub3A_15 = arith.subi %div3A, %sub3A : i32
    %select_n3A = arith.select %and3A, %sub3A_15, %div3A : i32
    %jit3A_16 = arith.constant 4 : i32
    %eq3A = arith.constant 0 : i32
    %eq3A_17 = arith.cmpi eq, %jit3A_16, %eq3A : i32
    %jit3A_18 = arith.constant 1 : i32
    %select_n3A_19 = arith.select %eq3A_17, %jit3A_18, %jit3A_16 : i32
    %rem3A_20 = arith.remsi %arg0, %select_n3A_19 : i32
    %ne3A_21 = arith.constant 0 : i32
    %ne3A_22 = arith.cmpi ne, %rem3A_20, %ne3A_21 : i32
    %lt3A = arith.constant 0 : i32
    %lt3A_23 = arith.cmpi slt, %rem3A_20, %lt3A : i32
    %lt3A_24 = arith.constant 0 : i32
    %lt3A_25 = arith.cmpi slt, %select_n3A_19, %lt3A_24 : i32
    %ne3A_26 = arith.xori %lt3A_23, %lt3A_25 : i1
    %and3A_27 = arith.andi %ne3A_26, %ne3A_22 : i1
    %add3A = arith.addi %rem3A_20, %select_n3A_19 : i32
    %select_n3A_28 = arith.select %and3A_27, %add3A, %rem3A_20 : i32
    %c0_i32 = arith.constant 0 : i32
    %c0_i32_29 = arith.constant 0 : i32
    return %select_n3A, %select_n3A_28, %c0_i32 : i32, i32, i32
  }
  func.func @transform_2(%arg0: i32) -> (i32, i32) {
    %c0_i32 = arith.constant 0 : i32
    %c0_i32_0 = arith.constant 0 : i32
    %c0_i32_1 = arith.constant 0 : i32
    return %c0_i32, %c0_i32_0 : i32, i32
  }
  func.func @transform_3(%arg0: i32) -> (i32, i32) {
    %c0_i32 = arith.constant 0 : i32
    %c0_i32_0 = arith.constant 0 : i32
    %c0_i32_1 = arith.constant 0 : i32
    return %c0_i32, %c0_i32_0 : i32, i32
  }
  func.func @transform_4(%arg0: i32) -> (i32, i32) {
    %c0_i32 = arith.constant 0 : i32
    %c0_i32_0 = arith.constant 0 : i32
    %c0_i32_1 = arith.constant 0 : i32
    return %c0_i32, %c0_i32_0 : i32, i32
  }
  func.func @transform_5(%arg0: i32) -> (i32, i32) {
    %c0_i32 = arith.constant 0 : i32
    %c0_i32_0 = arith.constant 0 : i32
    %c0_i32_1 = arith.constant 0 : i32
    return %c0_i32, %c0_i32_0 : i32, i32
  }
  func.func @transform_6(%arg0: i32) -> (i32, i32) {
    %c0_i32 = arith.constant 0 : i32
    %c0_i32_0 = arith.constant 0 : i32
    %c0_i32_1 = arith.constant 0 : i32
    return %c0_i32, %c0_i32_0 : i32, i32
  }
  func.func @transform_7(%arg0: i32) -> (i32, i32) {
    %c0_i32 = arith.constant 0 : i32
    %c0_i32_0 = arith.constant 0 : i32
    %c0_i32_1 = arith.constant 0 : i32
    return %c0_i32, %c0_i32_0 : i32, i32
  }
  func.func @transform_8(%arg0: i32) -> (i32, i32) {
    %c0_i32 = arith.constant 0 : i32
    %c0_i32_0 = arith.constant 0 : i32
    %c0_i32_1 = arith.constant 0 : i32
    return %c0_i32, %c0_i32_0 : i32, i32
  }
}

module attributes {stable_mosaic.version = 14 : i64} {
  func.func @_pass3_body(%arg0: i32, %arg1: memref<1x256x32x128xf32, #tpu.memory_space<vmem>>, %arg2: memref<1x256x3xf32, #tpu.memory_space<vmem>>, %arg3: memref<48x32xbf16, #tpu.memory_space<vmem>>, %arg4: memref<1x32xf32, #tpu.memory_space<vmem>>, %arg5: memref<1x32xf32, #tpu.memory_space<vmem>>, %arg6: memref<1x32xf32, #tpu.memory_space<vmem>>, %arg7: memref<32x32xbf16, #tpu.memory_space<vmem>>, %arg8: memref<1x32xf32, #tpu.memory_space<vmem>>, %arg9: memref<1x32xf32, #tpu.memory_space<vmem>>, %arg10: memref<1x32xf32, #tpu.memory_space<vmem>>, %arg11: memref<64x32xbf16, #tpu.memory_space<vmem>>, %arg12: memref<1x64xf32, #tpu.memory_space<vmem>>, %arg13: memref<2x64xf32, #tpu.memory_space<vmem>>) attributes {dimension_semantics = [#tpu.dimension_semantics<arbitrary>], iteration_bounds = array<i64: 64>, scalar_prefetch = 0 : i64, scratch_operands = 0 : i64, tpu.core_type = #tpu.core_type<tc>, window_params = [{transform_indices = @transform_0, window_bounds = array<i64: 1, 256, 32, 128>}, {transform_indices = @transform_1, window_bounds = array<i64: 1, 256, 3>}, {pipeline_mode = #tpu.pipeline_mode<synchronous>, transform_indices = @transform_2, window_bounds = array<i64: 48, 32>}, {pipeline_mode = #tpu.pipeline_mode<synchronous>, transform_indices = @transform_3, window_bounds = array<i64: 1, 32>}, {pipeline_mode = #tpu.pipeline_mode<synchronous>, transform_indices = @transform_4, window_bounds = array<i64: 1, 32>}, {pipeline_mode = #tpu.pipeline_mode<synchronous>, transform_indices = @transform_5, window_bounds = array<i64: 1, 32>}, {pipeline_mode = #tpu.pipeline_mode<synchronous>, transform_indices = @transform_6, window_bounds = array<i64: 32, 32>}, {pipeline_mode = #tpu.pipeline_mode<synchronous>, transform_indices = @transform_7, window_bounds = array<i64: 1, 32>}, {pipeline_mode = #tpu.pipeline_mode<synchronous>, transform_indices = @transform_8, window_bounds = array<i64: 1, 32>}, {pipeline_mode = #tpu.pipeline_mode<synchronous>, transform_indices = @transform_9, window_bounds = array<i64: 1, 32>}, {pipeline_mode = #tpu.pipeline_mode<synchronous>, transform_indices = @transform_10, window_bounds = array<i64: 64, 32>}, {pipeline_mode = #tpu.pipeline_mode<synchronous>, transform_indices = @transform_11, window_bounds = array<i64: 1, 64>}, {pipeline_mode = #tpu.pipeline_mode<synchronous>, transform_indices = @transform_12, window_bounds = array<i64: 2, 64>}]} {
    %get3A = arith.constant 0 : index
    %get3A_0 = arith.constant 0 : index
    %get3A_1 = arith.constant 0 : index
    %get3A_2 = arith.constant 0 : index
    %get3A_3 = vector.load %arg1[%get3A, %get3A_0, %get3A_1, %get3A_2] : memref<1x256x32x128xf32, #tpu.memory_space<vmem>>, vector<1x256x32x128xf32>
    %get3A_4 = vector.shape_cast %get3A_3 : vector<1x256x32x128xf32> to vector<256x32x128xf32>
    %slice3A = vector.extract_strided_slice %get3A_4 {offsets = [0, 0, 0], sizes = [256, 32, 48], strides = [1, 1, 1]} : vector<256x32x128xf32> to vector<256x32x48xf32>
    %get3A_5 = arith.constant 0 : index
    %get3A_6 = arith.constant 0 : index
    %get3A_7 = arith.constant 0 : index
    %get3A_8 = vector.load %arg2[%get3A_5, %get3A_6, %get3A_7] : memref<1x256x3xf32, #tpu.memory_space<vmem>>, vector<1x256x3xf32>
    %get3A_9 = vector.shape_cast %get3A_8 : vector<1x256x3xf32> to vector<256x3xf32>
    %broadcast_in_dim3A = arith.constant 0.000000e+00 : f32
    %broadcast_in_dim3A_10 = vector.broadcast %broadcast_in_dim3A : f32 to vector<256x45xf32>
    %concatenate3A = tpu.concatenate %get3A_9, %broadcast_in_dim3A_10 in 1 : vector<256x3xf32>, vector<256x45xf32> -> vector<256x48xf32>
    %broadcast_in_dim3A_11 = vector.shape_cast %concatenate3A : vector<256x48xf32> to vector<256x1x48xf32>
    %sub3A = vector.broadcast %broadcast_in_dim3A_11 : vector<256x1x48xf32> to vector<256x32x48xf32>
    %sub3A_12 = arith.subf %slice3A, %sub3A : vector<256x32x48xf32>
    %reshape3A = vector.shape_cast %sub3A_12 : vector<256x32x48xf32> to vector<8192x48xf32>
    %convert_element_type3A = arith.truncf %reshape3A : vector<8192x48xf32> to vector<8192x48xbf16>
    %get3A_13 = arith.constant 0 : index
    %get3A_14 = arith.constant 0 : index
    %get3A_15 = vector.load %arg3[%get3A_13, %get3A_14] : memref<48x32xbf16, #tpu.memory_space<vmem>>, vector<48x32xbf16>
    %dot_general3A = arith.constant dense<0.000000e+00> : vector<8192x32xf32>
    %dot_general3A_16 = tpu.matmul %convert_element_type3A, %get3A_15, %dot_general3A {dimension_numbers = #tpu.dot_dimension_numbers<[1], [0], [0], [1], [0, 0, 1, 1], [], []>, transpose_lhs_hint = false} : vector<8192x48xbf16>, vector<48x32xbf16>, vector<8192x32xf32> -> vector<8192x32xf32>
    %get3A_17 = arith.constant 0 : index
    %get3A_18 = arith.constant 0 : index
    %get3A_19 = vector.load %arg4[%get3A_17, %get3A_18] : memref<1x32xf32, #tpu.memory_space<vmem>>, vector<1x32xf32>
    %add3A = vector.broadcast %get3A_19 : vector<1x32xf32> to vector<8192x32xf32>
    %add3A_20 = arith.addf %dot_general3A_16, %add3A : vector<8192x32xf32>
    %get3A_21 = arith.constant 0 : index
    %get3A_22 = arith.constant 0 : index
    %get3A_23 = vector.load %arg5[%get3A_21, %get3A_22] : memref<1x32xf32, #tpu.memory_space<vmem>>, vector<1x32xf32>
    %mul3A = vector.broadcast %get3A_23 : vector<1x32xf32> to vector<8192x32xf32>
    %mul3A_24 = arith.mulf %add3A_20, %mul3A : vector<8192x32xf32>
    %get3A_25 = arith.constant 0 : index
    %get3A_26 = arith.constant 0 : index
    %get3A_27 = vector.load %arg6[%get3A_25, %get3A_26] : memref<1x32xf32, #tpu.memory_space<vmem>>, vector<1x32xf32>
    %add3A_28 = vector.broadcast %get3A_27 : vector<1x32xf32> to vector<8192x32xf32>
    %add3A_29 = arith.addf %mul3A_24, %add3A_28 : vector<8192x32xf32>
    %max3A = arith.constant 0.000000e+00 : f32
    %max3A_30 = vector.broadcast %max3A : f32 to vector<8192x32xf32>
    %max3A_31 = arith.maximumf %add3A_29, %max3A_30 : vector<8192x32xf32>
    %convert_element_type3A_32 = arith.truncf %max3A_31 : vector<8192x32xf32> to vector<8192x32xbf16>
    %get3A_33 = arith.constant 0 : index
    %get3A_34 = arith.constant 0 : index
    %get3A_35 = vector.load %arg7[%get3A_33, %get3A_34] : memref<32x32xbf16, #tpu.memory_space<vmem>>, vector<32x32xbf16>
    %dot_general3A_36 = arith.constant dense<0.000000e+00> : vector<8192x32xf32>
    %dot_general3A_37 = tpu.matmul %convert_element_type3A_32, %get3A_35, %dot_general3A_36 {dimension_numbers = #tpu.dot_dimension_numbers<[1], [1], [0], [0], [0, 0, 1, 0], [], []>, transpose_lhs_hint = false} : vector<8192x32xbf16>, vector<32x32xbf16>, vector<8192x32xf32> -> vector<8192x32xf32>
    %get3A_38 = arith.constant 0 : index
    %get3A_39 = arith.constant 0 : index
    %get3A_40 = vector.load %arg8[%get3A_38, %get3A_39] : memref<1x32xf32, #tpu.memory_space<vmem>>, vector<1x32xf32>
    %add3A_41 = vector.broadcast %get3A_40 : vector<1x32xf32> to vector<8192x32xf32>
    %add3A_42 = arith.addf %dot_general3A_37, %add3A_41 : vector<8192x32xf32>
    %get3A_43 = arith.constant 0 : index
    %get3A_44 = arith.constant 0 : index
    %get3A_45 = vector.load %arg9[%get3A_43, %get3A_44] : memref<1x32xf32, #tpu.memory_space<vmem>>, vector<1x32xf32>
    %mul3A_46 = vector.broadcast %get3A_45 : vector<1x32xf32> to vector<8192x32xf32>
    %mul3A_47 = arith.mulf %add3A_42, %mul3A_46 : vector<8192x32xf32>
    %get3A_48 = arith.constant 0 : index
    %get3A_49 = arith.constant 0 : index
    %get3A_50 = vector.load %arg10[%get3A_48, %get3A_49] : memref<1x32xf32, #tpu.memory_space<vmem>>, vector<1x32xf32>
    %add3A_51 = vector.broadcast %get3A_50 : vector<1x32xf32> to vector<8192x32xf32>
    %add3A_52 = arith.addf %mul3A_47, %add3A_51 : vector<8192x32xf32>
    %max3A_53 = arith.constant 0.000000e+00 : f32
    %max3A_54 = vector.broadcast %max3A_53 : f32 to vector<8192x32xf32>
    %max3A_55 = arith.maximumf %add3A_52, %max3A_54 : vector<8192x32xf32>
    %convert_element_type3A_56 = arith.truncf %max3A_55 : vector<8192x32xf32> to vector<8192x32xbf16>
    %get3A_57 = arith.constant 0 : index
    %get3A_58 = arith.constant 0 : index
    %get3A_59 = vector.load %arg11[%get3A_57, %get3A_58] : memref<64x32xbf16, #tpu.memory_space<vmem>>, vector<64x32xbf16>
    %dot_general3A_60 = arith.constant dense<0.000000e+00> : vector<8192x64xf32>
    %dot_general3A_61 = tpu.matmul %convert_element_type3A_56, %get3A_59, %dot_general3A_60 {dimension_numbers = #tpu.dot_dimension_numbers<[1], [1], [0], [0], [0, 0, 1, 0], [], []>, transpose_lhs_hint = false} : vector<8192x32xbf16>, vector<64x32xbf16>, vector<8192x64xf32> -> vector<8192x64xf32>
    %get3A_62 = arith.constant 0 : index
    %get3A_63 = arith.constant 0 : index
    %get3A_64 = vector.load %arg12[%get3A_62, %get3A_63] : memref<1x64xf32, #tpu.memory_space<vmem>>, vector<1x64xf32>
    %add3A_65 = vector.broadcast %get3A_64 : vector<1x64xf32> to vector<8192x64xf32>
    %add3A_66 = arith.addf %dot_general3A_61, %add3A_65 : vector<8192x64xf32>
    %reduce_sum3A = arith.constant dense<0.000000e+00> : vector<64xf32>
    %reduce_sum3A_67 = vector.multi_reduction <add>, %add3A_66, %reduce_sum3A [0] : vector<8192x64xf32> to vector<64xf32>
    %broadcast_in_dim3A_68 = vector.shape_cast %reduce_sum3A_67 : vector<64xf32> to vector<1x64xf32>
    %mul3A_69 = arith.mulf %add3A_66, %add3A_66 : vector<8192x64xf32>
    %reduce_sum3A_70 = arith.constant dense<0.000000e+00> : vector<64xf32>
    %reduce_sum3A_71 = vector.multi_reduction <add>, %mul3A_69, %reduce_sum3A_70 [0] : vector<8192x64xf32> to vector<64xf32>
    %broadcast_in_dim3A_72 = vector.shape_cast %reduce_sum3A_71 : vector<64xf32> to vector<1x64xf32>
    %concatenate3A_73 = tpu.concatenate %broadcast_in_dim3A_68, %broadcast_in_dim3A_72 in 0 : vector<1x64xf32>, vector<1x64xf32> -> vector<2x64xf32>
    %eq3A = arith.constant 0 : i32
    %eq3A_74 = arith.cmpi eq, %arg0, %eq3A : i32
    %convert_element_type3A_75 = arith.extui %eq3A_74 : i1 to i32
    %cond3A = arith.constant 0 : i32
    %cond3A_76 = arith.cmpi ne, %convert_element_type3A_75, %cond3A : i32
    scf.if %cond3A_76 {
      %broadcast_in_dim3A_83 = arith.constant 0.000000e+00 : f32
      %broadcast_in_dim3A_84 = vector.broadcast %broadcast_in_dim3A_83 : f32 to vector<2x64xf32>
      %swap3A_85 = arith.constant 0 : index
      %swap3A_86 = arith.constant 0 : index
      %swap3A_87 = vector.load %arg13[%swap3A_85, %swap3A_86] : memref<2x64xf32, #tpu.memory_space<vmem>>, vector<2x64xf32>
      tpu.vector_store %arg13[%swap3A_85, %swap3A_86], %broadcast_in_dim3A_84 {strides = array<i32>} : memref<2x64xf32, #tpu.memory_space<vmem>>, vector<2x64xf32>,
    } else {
    }
    %get3A_77 = arith.constant 0 : index
    %get3A_78 = arith.constant 0 : index
    %get3A_79 = vector.load %arg13[%get3A_77, %get3A_78] : memref<2x64xf32, #tpu.memory_space<vmem>>, vector<2x64xf32>
    %add3A_80 = arith.addf %get3A_79, %concatenate3A_73 : vector<2x64xf32>
    %swap3A = arith.constant 0 : index
    %swap3A_81 = arith.constant 0 : index
    %swap3A_82 = vector.load %arg13[%swap3A, %swap3A_81] : memref<2x64xf32, #tpu.memory_space<vmem>>, vector<2x64xf32>
    tpu.vector_store %arg13[%swap3A, %swap3A_81], %add3A_80 {strides = array<i32>} : memref<2x64xf32, #tpu.memory_space<vmem>>, vector<2x64xf32>,
    return
  }
  func.func @transform_0(%arg0: i32) -> (i32, i32, i32, i32) {
    %jit3A = arith.constant 4 : i32
    %div3A = arith.divsi %arg0, %jit3A : i32
    %sign3A = arith.constant 0 : i32
    %sign3A_0 = arith.cmpi sgt, %arg0, %sign3A : i32
    %sign3A_1 = arith.extui %sign3A_0 : i1 to i32
    %sign3A_2 = arith.constant 0 : i32
    %sign3A_3 = arith.cmpi slt, %arg0, %sign3A_2 : i32
    %sign3A_4 = arith.extui %sign3A_3 : i1 to i32
    %sign3A_5 = arith.subi %sign3A_1, %sign3A_4 : i32
    %sign3A_6 = arith.constant 0 : i32
    %sign3A_7 = arith.cmpi sgt, %jit3A, %sign3A_6 : i32
    %sign3A_8 = arith.extui %sign3A_7 : i1 to i32
    %sign3A_9 = arith.constant 0 : i32
    %sign3A_10 = arith.cmpi slt, %jit3A, %sign3A_9 : i32
    %sign3A_11 = arith.extui %sign3A_10 : i1 to i32
    %sign3A_12 = arith.subi %sign3A_8, %sign3A_11 : i32
    %ne3A = arith.cmpi ne, %sign3A_5, %sign3A_12 : i32
    %rem3A = arith.remsi %arg0, %jit3A : i32
    %ne3A_13 = arith.constant 0 : i32
    %ne3A_14 = arith.cmpi ne, %rem3A, %ne3A_13 : i32
    %and3A = arith.andi %ne3A, %ne3A_14 : i1
    %sub3A = arith.constant 1 : i32
    %sub3A_15 = arith.subi %div3A, %sub3A : i32
    %select_n3A = arith.select %and3A, %sub3A_15, %div3A : i32
    %jit3A_16 = arith.constant 4 : i32
    %eq3A = arith.constant 0 : i32
    %eq3A_17 = arith.cmpi eq, %jit3A_16, %eq3A : i32
    %jit3A_18 = arith.constant 1 : i32
    %select_n3A_19 = arith.select %eq3A_17, %jit3A_18, %jit3A_16 : i32
    %rem3A_20 = arith.remsi %arg0, %select_n3A_19 : i32
    %ne3A_21 = arith.constant 0 : i32
    %ne3A_22 = arith.cmpi ne, %rem3A_20, %ne3A_21 : i32
    %lt3A = arith.constant 0 : i32
    %lt3A_23 = arith.cmpi slt, %rem3A_20, %lt3A : i32
    %lt3A_24 = arith.constant 0 : i32
    %lt3A_25 = arith.cmpi slt, %select_n3A_19, %lt3A_24 : i32
    %ne3A_26 = arith.xori %lt3A_23, %lt3A_25 : i1
    %and3A_27 = arith.andi %ne3A_26, %ne3A_22 : i1
    %add3A = arith.addi %rem3A_20, %select_n3A_19 : i32
    %select_n3A_28 = arith.select %and3A_27, %add3A, %rem3A_20 : i32
    %c0_i32 = arith.constant 0 : i32
    %c0_i32_29 = arith.constant 0 : i32
    %c0_i32_30 = arith.constant 0 : i32
    return %select_n3A, %select_n3A_28, %c0_i32, %c0_i32_29 : i32, i32, i32, i32
  }
  func.func @transform_1(%arg0: i32) -> (i32, i32, i32) {
    %jit3A = arith.constant 4 : i32
    %div3A = arith.divsi %arg0, %jit3A : i32
    %sign3A = arith.constant 0 : i32
    %sign3A_0 = arith.cmpi sgt, %arg0, %sign3A : i32
    %sign3A_1 = arith.extui %sign3A_0 : i1 to i32
    %sign3A_2 = arith.constant 0 : i32
    %sign3A_3 = arith.cmpi slt, %arg0, %sign3A_2 : i32
    %sign3A_4 = arith.extui %sign3A_3 : i1 to i32
    %sign3A_5 = arith.subi %sign3A_1, %sign3A_4 : i32
    %sign3A_6 = arith.constant 0 : i32
    %sign3A_7 = arith.cmpi sgt, %jit3A, %sign3A_6 : i32
    %sign3A_8 = arith.extui %sign3A_7 : i1 to i32
    %sign3A_9 = arith.constant 0 : i32
    %sign3A_10 = arith.cmpi slt, %jit3A, %sign3A_9 : i32
    %sign3A_11 = arith.extui %sign3A_10 : i1 to i32
    %sign3A_12 = arith.subi %sign3A_8, %sign3A_11 : i32
    %ne3A = arith.cmpi ne, %sign3A_5, %sign3A_12 : i32
    %rem3A = arith.remsi %arg0, %jit3A : i32
    %ne3A_13 = arith.constant 0 : i32
    %ne3A_14 = arith.cmpi ne, %rem3A, %ne3A_13 : i32
    %and3A = arith.andi %ne3A, %ne3A_14 : i1
    %sub3A = arith.constant 1 : i32
    %sub3A_15 = arith.subi %div3A, %sub3A : i32
    %select_n3A = arith.select %and3A, %sub3A_15, %div3A : i32
    %jit3A_16 = arith.constant 4 : i32
    %eq3A = arith.constant 0 : i32
    %eq3A_17 = arith.cmpi eq, %jit3A_16, %eq3A : i32
    %jit3A_18 = arith.constant 1 : i32
    %select_n3A_19 = arith.select %eq3A_17, %jit3A_18, %jit3A_16 : i32
    %rem3A_20 = arith.remsi %arg0, %select_n3A_19 : i32
    %ne3A_21 = arith.constant 0 : i32
    %ne3A_22 = arith.cmpi ne, %rem3A_20, %ne3A_21 : i32
    %lt3A = arith.constant 0 : i32
    %lt3A_23 = arith.cmpi slt, %rem3A_20, %lt3A : i32
    %lt3A_24 = arith.constant 0 : i32
    %lt3A_25 = arith.cmpi slt, %select_n3A_19, %lt3A_24 : i32
    %ne3A_26 = arith.xori %lt3A_23, %lt3A_25 : i1
    %and3A_27 = arith.andi %ne3A_26, %ne3A_22 : i1
    %add3A = arith.addi %rem3A_20, %select_n3A_19 : i32
    %select_n3A_28 = arith.select %and3A_27, %add3A, %rem3A_20 : i32
    %c0_i32 = arith.constant 0 : i32
    %c0_i32_29 = arith.constant 0 : i32
    return %select_n3A, %select_n3A_28, %c0_i32 : i32, i32, i32
  }
  func.func @transform_2(%arg0: i32) -> (i32, i32) {
    %c0_i32 = arith.constant 0 : i32
    %c0_i32_0 = arith.constant 0 : i32
    %c0_i32_1 = arith.constant 0 : i32
    return %c0_i32, %c0_i32_0 : i32, i32
  }
  func.func @transform_3(%arg0: i32) -> (i32, i32) {
    %c0_i32 = arith.constant 0 : i32
    %c0_i32_0 = arith.constant 0 : i32
    %c0_i32_1 = arith.constant 0 : i32
    return %c0_i32, %c0_i32_0 : i32, i32
  }
  func.func @transform_4(%arg0: i32) -> (i32, i32) {
    %c0_i32 = arith.constant 0 : i32
    %c0_i32_0 = arith.constant 0 : i32
    %c0_i32_1 = arith.constant 0 : i32
    return %c0_i32, %c0_i32_0 : i32, i32
  }
  func.func @transform_5(%arg0: i32) -> (i32, i32) {
    %c0_i32 = arith.constant 0 : i32
    %c0_i32_0 = arith.constant 0 : i32
    %c0_i32_1 = arith.constant 0 : i32
    return %c0_i32, %c0_i32_0 : i32, i32
  }
  func.func @transform_6(%arg0: i32) -> (i32, i32) {
    %c0_i32 = arith.constant 0 : i32
    %c0_i32_0 = arith.constant 0 : i32
    %c0_i32_1 = arith.constant 0 : i32
    return %c0_i32, %c0_i32_0 : i32, i32
  }
  func.func @transform_7(%arg0: i32) -> (i32, i32) {
    %c0_i32 = arith.constant 0 : i32
    %c0_i32_0 = arith.constant 0 : i32
    %c0_i32_1 = arith.constant 0 : i32
    return %c0_i32, %c0_i32_0 : i32, i32
  }
  func.func @transform_8(%arg0: i32) -> (i32, i32) {
    %c0_i32 = arith.constant 0 : i32
    %c0_i32_0 = arith.constant 0 : i32
    %c0_i32_1 = arith.constant 0 : i32
    return %c0_i32, %c0_i32_0 : i32, i32
  }
  func.func @transform_9(%arg0: i32) -> (i32, i32) {
    %c0_i32 = arith.constant 0 : i32
    %c0_i32_0 = arith.constant 0 : i32
    %c0_i32_1 = arith.constant 0 : i32
    return %c0_i32, %c0_i32_0 : i32, i32
  }
  func.func @transform_10(%arg0: i32) -> (i32, i32) {
    %c0_i32 = arith.constant 0 : i32
    %c0_i32_0 = arith.constant 0 : i32
    %c0_i32_1 = arith.constant 0 : i32
    return %c0_i32, %c0_i32_0 : i32, i32
  }
  func.func @transform_11(%arg0: i32) -> (i32, i32) {
    %c0_i32 = arith.constant 0 : i32
    %c0_i32_0 = arith.constant 0 : i32
    %c0_i32_1 = arith.constant 0 : i32
    return %c0_i32, %c0_i32_0 : i32, i32
  }
  func.func @transform_12(%arg0: i32) -> (i32, i32) {
    %c0_i32 = arith.constant 0 : i32
    %c0_i32_0 = arith.constant 0 : i32
    %c0_i32_1 = arith.constant 0 : i32
    return %c0_i32, %c0_i32_0 : i32, i32
  }
}

module attributes {stable_mosaic.version = 14 : i64} {
  func.func @_pass4_body(%arg0: i32, %arg1: memref<1x256x32x128xf32, #tpu.memory_space<vmem>>, %arg2: memref<1x256x3xf32, #tpu.memory_space<vmem>>, %arg3: memref<48x32xbf16, #tpu.memory_space<vmem>>, %arg4: memref<1x32xf32, #tpu.memory_space<vmem>>, %arg5: memref<1x32xf32, #tpu.memory_space<vmem>>, %arg6: memref<1x32xf32, #tpu.memory_space<vmem>>, %arg7: memref<32x32xbf16, #tpu.memory_space<vmem>>, %arg8: memref<1x32xf32, #tpu.memory_space<vmem>>, %arg9: memref<1x32xf32, #tpu.memory_space<vmem>>, %arg10: memref<1x32xf32, #tpu.memory_space<vmem>>, %arg11: memref<64x32xbf16, #tpu.memory_space<vmem>>, %arg12: memref<1x64xf32, #tpu.memory_space<vmem>>, %arg13: memref<1x64xf32, #tpu.memory_space<vmem>>, %arg14: memref<1x64xf32, #tpu.memory_space<vmem>>, %arg15: memref<1x256x64xf32, #tpu.memory_space<vmem>>) attributes {dimension_semantics = [#tpu.dimension_semantics<arbitrary>], iteration_bounds = array<i64: 64>, scalar_prefetch = 0 : i64, scratch_operands = 0 : i64, tpu.core_type = #tpu.core_type<tc>, window_params = [{transform_indices = @transform_0, window_bounds = array<i64: 1, 256, 32, 128>}, {transform_indices = @transform_1, window_bounds = array<i64: 1, 256, 3>}, {pipeline_mode = #tpu.pipeline_mode<synchronous>, transform_indices = @transform_2, window_bounds = array<i64: 48, 32>}, {pipeline_mode = #tpu.pipeline_mode<synchronous>, transform_indices = @transform_3, window_bounds = array<i64: 1, 32>}, {pipeline_mode = #tpu.pipeline_mode<synchronous>, transform_indices = @transform_4, window_bounds = array<i64: 1, 32>}, {pipeline_mode = #tpu.pipeline_mode<synchronous>, transform_indices = @transform_5, window_bounds = array<i64: 1, 32>}, {pipeline_mode = #tpu.pipeline_mode<synchronous>, transform_indices = @transform_6, window_bounds = array<i64: 32, 32>}, {pipeline_mode = #tpu.pipeline_mode<synchronous>, transform_indices = @transform_7, window_bounds = array<i64: 1, 32>}, {pipeline_mode = #tpu.pipeline_mode<synchronous>, transform_indices = @transform_8, window_bounds = array<i64: 1, 32>}, {pipeline_mode = #tpu.pipeline_mode<synchronous>, transform_indices = @transform_9, window_bounds = array<i64: 1, 32>}, {pipeline_mode = #tpu.pipeline_mode<synchronous>, transform_indices = @transform_10, window_bounds = array<i64: 64, 32>}, {pipeline_mode = #tpu.pipeline_mode<synchronous>, transform_indices = @transform_11, window_bounds = array<i64: 1, 64>}, {pipeline_mode = #tpu.pipeline_mode<synchronous>, transform_indices = @transform_12, window_bounds = array<i64: 1, 64>}, {pipeline_mode = #tpu.pipeline_mode<synchronous>, transform_indices = @transform_13, window_bounds = array<i64: 1, 64>}, {transform_indices = @transform_14, window_bounds = array<i64: 1, 256, 64>}]} {
    %get3A = arith.constant 0 : index
    %get3A_0 = arith.constant 0 : index
    %get3A_1 = arith.constant 0 : index
    %get3A_2 = arith.constant 0 : index
    %get3A_3 = vector.load %arg1[%get3A, %get3A_0, %get3A_1, %get3A_2] : memref<1x256x32x128xf32, #tpu.memory_space<vmem>>, vector<1x256x32x128xf32>
    %get3A_4 = vector.shape_cast %get3A_3 : vector<1x256x32x128xf32> to vector<256x32x128xf32>
    %slice3A = vector.extract_strided_slice %get3A_4 {offsets = [0, 0, 0], sizes = [256, 32, 48], strides = [1, 1, 1]} : vector<256x32x128xf32> to vector<256x32x48xf32>
    %get3A_5 = arith.constant 0 : index
    %get3A_6 = arith.constant 0 : index
    %get3A_7 = arith.constant 0 : index
    %get3A_8 = vector.load %arg2[%get3A_5, %get3A_6, %get3A_7] : memref<1x256x3xf32, #tpu.memory_space<vmem>>, vector<1x256x3xf32>
    %get3A_9 = vector.shape_cast %get3A_8 : vector<1x256x3xf32> to vector<256x3xf32>
    %broadcast_in_dim3A = arith.constant 0.000000e+00 : f32
    %broadcast_in_dim3A_10 = vector.broadcast %broadcast_in_dim3A : f32 to vector<256x45xf32>
    %concatenate3A = tpu.concatenate %get3A_9, %broadcast_in_dim3A_10 in 1 : vector<256x3xf32>, vector<256x45xf32> -> vector<256x48xf32>
    %broadcast_in_dim3A_11 = vector.shape_cast %concatenate3A : vector<256x48xf32> to vector<256x1x48xf32>
    %sub3A = vector.broadcast %broadcast_in_dim3A_11 : vector<256x1x48xf32> to vector<256x32x48xf32>
    %sub3A_12 = arith.subf %slice3A, %sub3A : vector<256x32x48xf32>
    %reshape3A = vector.shape_cast %sub3A_12 : vector<256x32x48xf32> to vector<8192x48xf32>
    %convert_element_type3A = arith.truncf %reshape3A : vector<8192x48xf32> to vector<8192x48xbf16>
    %get3A_13 = arith.constant 0 : index
    %get3A_14 = arith.constant 0 : index
    %get3A_15 = vector.load %arg3[%get3A_13, %get3A_14] : memref<48x32xbf16, #tpu.memory_space<vmem>>, vector<48x32xbf16>
    %dot_general3A = arith.constant dense<0.000000e+00> : vector<8192x32xf32>
    %dot_general3A_16 = tpu.matmul %convert_element_type3A, %get3A_15, %dot_general3A {dimension_numbers = #tpu.dot_dimension_numbers<[1], [0], [0], [1], [0, 0, 1, 1], [], []>, transpose_lhs_hint = false} : vector<8192x48xbf16>, vector<48x32xbf16>, vector<8192x32xf32> -> vector<8192x32xf32>
    %get3A_17 = arith.constant 0 : index
    %get3A_18 = arith.constant 0 : index
    %get3A_19 = vector.load %arg4[%get3A_17, %get3A_18] : memref<1x32xf32, #tpu.memory_space<vmem>>, vector<1x32xf32>
    %add3A = vector.broadcast %get3A_19 : vector<1x32xf32> to vector<8192x32xf32>
    %add3A_20 = arith.addf %dot_general3A_16, %add3A : vector<8192x32xf32>
    %get3A_21 = arith.constant 0 : index
    %get3A_22 = arith.constant 0 : index
    %get3A_23 = vector.load %arg5[%get3A_21, %get3A_22] : memref<1x32xf32, #tpu.memory_space<vmem>>, vector<1x32xf32>
    %mul3A = vector.broadcast %get3A_23 : vector<1x32xf32> to vector<8192x32xf32>
    %mul3A_24 = arith.mulf %add3A_20, %mul3A : vector<8192x32xf32>
    %get3A_25 = arith.constant 0 : index
    %get3A_26 = arith.constant 0 : index
    %get3A_27 = vector.load %arg6[%get3A_25, %get3A_26] : memref<1x32xf32, #tpu.memory_space<vmem>>, vector<1x32xf32>
    %add3A_28 = vector.broadcast %get3A_27 : vector<1x32xf32> to vector<8192x32xf32>
    %add3A_29 = arith.addf %mul3A_24, %add3A_28 : vector<8192x32xf32>
    %max3A = arith.constant 0.000000e+00 : f32
    %max3A_30 = vector.broadcast %max3A : f32 to vector<8192x32xf32>
    %max3A_31 = arith.maximumf %add3A_29, %max3A_30 : vector<8192x32xf32>
    %convert_element_type3A_32 = arith.truncf %max3A_31 : vector<8192x32xf32> to vector<8192x32xbf16>
    %get3A_33 = arith.constant 0 : index
    %get3A_34 = arith.constant 0 : index
    %get3A_35 = vector.load %arg7[%get3A_33, %get3A_34] : memref<32x32xbf16, #tpu.memory_space<vmem>>, vector<32x32xbf16>
    %dot_general3A_36 = arith.constant dense<0.000000e+00> : vector<8192x32xf32>
    %dot_general3A_37 = tpu.matmul %convert_element_type3A_32, %get3A_35, %dot_general3A_36 {dimension_numbers = #tpu.dot_dimension_numbers<[1], [1], [0], [0], [0, 0, 1, 0], [], []>, transpose_lhs_hint = false} : vector<8192x32xbf16>, vector<32x32xbf16>, vector<8192x32xf32> -> vector<8192x32xf32>
    %get3A_38 = arith.constant 0 : index
    %get3A_39 = arith.constant 0 : index
    %get3A_40 = vector.load %arg8[%get3A_38, %get3A_39] : memref<1x32xf32, #tpu.memory_space<vmem>>, vector<1x32xf32>
    %add3A_41 = vector.broadcast %get3A_40 : vector<1x32xf32> to vector<8192x32xf32>
    %add3A_42 = arith.addf %dot_general3A_37, %add3A_41 : vector<8192x32xf32>
    %get3A_43 = arith.constant 0 : index
    %get3A_44 = arith.constant 0 : index
    %get3A_45 = vector.load %arg9[%get3A_43, %get3A_44] : memref<1x32xf32, #tpu.memory_space<vmem>>, vector<1x32xf32>
    %mul3A_46 = vector.broadcast %get3A_45 : vector<1x32xf32> to vector<8192x32xf32>
    %mul3A_47 = arith.mulf %add3A_42, %mul3A_46 : vector<8192x32xf32>
    %get3A_48 = arith.constant 0 : index
    %get3A_49 = arith.constant 0 : index
    %get3A_50 = vector.load %arg10[%get3A_48, %get3A_49] : memref<1x32xf32, #tpu.memory_space<vmem>>, vector<1x32xf32>
    %add3A_51 = vector.broadcast %get3A_50 : vector<1x32xf32> to vector<8192x32xf32>
    %add3A_52 = arith.addf %mul3A_47, %add3A_51 : vector<8192x32xf32>
    %max3A_53 = arith.constant 0.000000e+00 : f32
    %max3A_54 = vector.broadcast %max3A_53 : f32 to vector<8192x32xf32>
    %max3A_55 = arith.maximumf %add3A_52, %max3A_54 : vector<8192x32xf32>
    %convert_element_type3A_56 = arith.truncf %max3A_55 : vector<8192x32xf32> to vector<8192x32xbf16>
    %get3A_57 = arith.constant 0 : index
    %get3A_58 = arith.constant 0 : index
    %get3A_59 = vector.load %arg11[%get3A_57, %get3A_58] : memref<64x32xbf16, #tpu.memory_space<vmem>>, vector<64x32xbf16>
    %dot_general3A_60 = arith.constant dense<0.000000e+00> : vector<8192x64xf32>
    %dot_general3A_61 = tpu.matmul %convert_element_type3A_56, %get3A_59, %dot_general3A_60 {dimension_numbers = #tpu.dot_dimension_numbers<[1], [1], [0], [0], [0, 0, 1, 0], [], []>, transpose_lhs_hint = false} : vector<8192x32xbf16>, vector<64x32xbf16>, vector<8192x64xf32> -> vector<8192x64xf32>
    %get3A_62 = arith.constant 0 : index
    %get3A_63 = arith.constant 0 : index
    %get3A_64 = vector.load %arg12[%get3A_62, %get3A_63] : memref<1x64xf32, #tpu.memory_space<vmem>>, vector<1x64xf32>
    %add3A_65 = vector.broadcast %get3A_64 : vector<1x64xf32> to vector<8192x64xf32>
    %add3A_66 = arith.addf %dot_general3A_61, %add3A_65 : vector<8192x64xf32>
    %get3A_67 = arith.constant 0 : index
    %get3A_68 = arith.constant 0 : index
    %get3A_69 = vector.load %arg13[%get3A_67, %get3A_68] : memref<1x64xf32, #tpu.memory_space<vmem>>, vector<1x64xf32>
    %mul3A_70 = vector.broadcast %get3A_69 : vector<1x64xf32> to vector<8192x64xf32>
    %mul3A_71 = arith.mulf %add3A_66, %mul3A_70 : vector<8192x64xf32>
    %get3A_72 = arith.constant 0 : index
    %get3A_73 = arith.constant 0 : index
    %get3A_74 = vector.load %arg14[%get3A_72, %get3A_73] : memref<1x64xf32, #tpu.memory_space<vmem>>, vector<1x64xf32>
    %add3A_75 = vector.broadcast %get3A_74 : vector<1x64xf32> to vector<8192x64xf32>
    %add3A_76 = arith.addf %mul3A_71, %add3A_75 : vector<8192x64xf32>
    %max3A_77 = arith.constant 0.000000e+00 : f32
    %max3A_78 = vector.broadcast %max3A_77 : f32 to vector<8192x64xf32>
    %max3A_79 = arith.maximumf %add3A_76, %max3A_78 : vector<8192x64xf32>
    %reshape3A_80 = vector.shape_cast %max3A_79 : vector<8192x64xf32> to vector<256x32x64xf32>
    %reduce_max3A = arith.constant dense<0xFF800000> : vector<256x64xf32>
    %reduce_max3A_81 = vector.multi_reduction <maximumf>, %reshape3A_80, %reduce_max3A [1] : vector<256x32x64xf32> to vector<256x64xf32>
    %swap3A = arith.constant 0 : index
    %swap3A_82 = arith.constant 0 : index
    %swap3A_83 = arith.constant 0 : index
    %swap3A_84 = vector.load %arg15[%swap3A, %swap3A_82, %swap3A_83] : memref<1x256x64xf32, #tpu.memory_space<vmem>>, vector<1x256x64xf32>
    %swap3A_85 = vector.shape_cast %swap3A_84 : vector<1x256x64xf32> to vector<256x64xf32>
    %swap3A_86 = vector.shape_cast %reduce_max3A_81 : vector<256x64xf32> to vector<1x256x64xf32>
    tpu.vector_store %arg15[%swap3A, %swap3A_82, %swap3A_83], %swap3A_86 {strides = array<i32>} : memref<1x256x64xf32, #tpu.memory_space<vmem>>, vector<1x256x64xf32>,
    return
  }
  func.func @transform_0(%arg0: i32) -> (i32, i32, i32, i32) {
    %jit3A = arith.constant 4 : i32
    %div3A = arith.divsi %arg0, %jit3A : i32
    %sign3A = arith.constant 0 : i32
    %sign3A_0 = arith.cmpi sgt, %arg0, %sign3A : i32
    %sign3A_1 = arith.extui %sign3A_0 : i1 to i32
    %sign3A_2 = arith.constant 0 : i32
    %sign3A_3 = arith.cmpi slt, %arg0, %sign3A_2 : i32
    %sign3A_4 = arith.extui %sign3A_3 : i1 to i32
    %sign3A_5 = arith.subi %sign3A_1, %sign3A_4 : i32
    %sign3A_6 = arith.constant 0 : i32
    %sign3A_7 = arith.cmpi sgt, %jit3A, %sign3A_6 : i32
    %sign3A_8 = arith.extui %sign3A_7 : i1 to i32
    %sign3A_9 = arith.constant 0 : i32
    %sign3A_10 = arith.cmpi slt, %jit3A, %sign3A_9 : i32
    %sign3A_11 = arith.extui %sign3A_10 : i1 to i32
    %sign3A_12 = arith.subi %sign3A_8, %sign3A_11 : i32
    %ne3A = arith.cmpi ne, %sign3A_5, %sign3A_12 : i32
    %rem3A = arith.remsi %arg0, %jit3A : i32
    %ne3A_13 = arith.constant 0 : i32
    %ne3A_14 = arith.cmpi ne, %rem3A, %ne3A_13 : i32
    %and3A = arith.andi %ne3A, %ne3A_14 : i1
    %sub3A = arith.constant 1 : i32
    %sub3A_15 = arith.subi %div3A, %sub3A : i32
    %select_n3A = arith.select %and3A, %sub3A_15, %div3A : i32
    %jit3A_16 = arith.constant 4 : i32
    %eq3A = arith.constant 0 : i32
    %eq3A_17 = arith.cmpi eq, %jit3A_16, %eq3A : i32
    %jit3A_18 = arith.constant 1 : i32
    %select_n3A_19 = arith.select %eq3A_17, %jit3A_18, %jit3A_16 : i32
    %rem3A_20 = arith.remsi %arg0, %select_n3A_19 : i32
    %ne3A_21 = arith.constant 0 : i32
    %ne3A_22 = arith.cmpi ne, %rem3A_20, %ne3A_21 : i32
    %lt3A = arith.constant 0 : i32
    %lt3A_23 = arith.cmpi slt, %rem3A_20, %lt3A : i32
    %lt3A_24 = arith.constant 0 : i32
    %lt3A_25 = arith.cmpi slt, %select_n3A_19, %lt3A_24 : i32
    %ne3A_26 = arith.xori %lt3A_23, %lt3A_25 : i1
    %and3A_27 = arith.andi %ne3A_26, %ne3A_22 : i1
    %add3A = arith.addi %rem3A_20, %select_n3A_19 : i32
    %select_n3A_28 = arith.select %and3A_27, %add3A, %rem3A_20 : i32
    %c0_i32 = arith.constant 0 : i32
    %c0_i32_29 = arith.constant 0 : i32
    %c0_i32_30 = arith.constant 0 : i32
    return %select_n3A, %select_n3A_28, %c0_i32, %c0_i32_29 : i32, i32, i32, i32
  }
  func.func @transform_1(%arg0: i32) -> (i32, i32, i32) {
    %jit3A = arith.constant 4 : i32
    %div3A = arith.divsi %arg0, %jit3A : i32
    %sign3A = arith.constant 0 : i32
    %sign3A_0 = arith.cmpi sgt, %arg0, %sign3A : i32
    %sign3A_1 = arith.extui %sign3A_0 : i1 to i32
    %sign3A_2 = arith.constant 0 : i32
    %sign3A_3 = arith.cmpi slt, %arg0, %sign3A_2 : i32
    %sign3A_4 = arith.extui %sign3A_3 : i1 to i32
    %sign3A_5 = arith.subi %sign3A_1, %sign3A_4 : i32
    %sign3A_6 = arith.constant 0 : i32
    %sign3A_7 = arith.cmpi sgt, %jit3A, %sign3A_6 : i32
    %sign3A_8 = arith.extui %sign3A_7 : i1 to i32
    %sign3A_9 = arith.constant 0 : i32
    %sign3A_10 = arith.cmpi slt, %jit3A, %sign3A_9 : i32
    %sign3A_11 = arith.extui %sign3A_10 : i1 to i32
    %sign3A_12 = arith.subi %sign3A_8, %sign3A_11 : i32
    %ne3A = arith.cmpi ne, %sign3A_5, %sign3A_12 : i32
    %rem3A = arith.remsi %arg0, %jit3A : i32
    %ne3A_13 = arith.constant 0 : i32
    %ne3A_14 = arith.cmpi ne, %rem3A, %ne3A_13 : i32
    %and3A = arith.andi %ne3A, %ne3A_14 : i1
    %sub3A = arith.constant 1 : i32
    %sub3A_15 = arith.subi %div3A, %sub3A : i32
    %select_n3A = arith.select %and3A, %sub3A_15, %div3A : i32
    %jit3A_16 = arith.constant 4 : i32
    %eq3A = arith.constant 0 : i32
    %eq3A_17 = arith.cmpi eq, %jit3A_16, %eq3A : i32
    %jit3A_18 = arith.constant 1 : i32
    %select_n3A_19 = arith.select %eq3A_17, %jit3A_18, %jit3A_16 : i32
    %rem3A_20 = arith.remsi %arg0, %select_n3A_19 : i32
    %ne3A_21 = arith.constant 0 : i32
    %ne3A_22 = arith.cmpi ne, %rem3A_20, %ne3A_21 : i32
    %lt3A = arith.constant 0 : i32
    %lt3A_23 = arith.cmpi slt, %rem3A_20, %lt3A : i32
    %lt3A_24 = arith.constant 0 : i32
    %lt3A_25 = arith.cmpi slt, %select_n3A_19, %lt3A_24 : i32
    %ne3A_26 = arith.xori %lt3A_23, %lt3A_25 : i1
    %and3A_27 = arith.andi %ne3A_26, %ne3A_22 : i1
    %add3A = arith.addi %rem3A_20, %select_n3A_19 : i32
    %select_n3A_28 = arith.select %and3A_27, %add3A, %rem3A_20 : i32
    %c0_i32 = arith.constant 0 : i32
    %c0_i32_29 = arith.constant 0 : i32
    return %select_n3A, %select_n3A_28, %c0_i32 : i32, i32, i32
  }
  func.func @transform_2(%arg0: i32) -> (i32, i32) {
    %c0_i32 = arith.constant 0 : i32
    %c0_i32_0 = arith.constant 0 : i32
    %c0_i32_1 = arith.constant 0 : i32
    return %c0_i32, %c0_i32_0 : i32, i32
  }
  func.func @transform_3(%arg0: i32) -> (i32, i32) {
    %c0_i32 = arith.constant 0 : i32
    %c0_i32_0 = arith.constant 0 : i32
    %c0_i32_1 = arith.constant 0 : i32
    return %c0_i32, %c0_i32_0 : i32, i32
  }
  func.func @transform_4(%arg0: i32) -> (i32, i32) {
    %c0_i32 = arith.constant 0 : i32
    %c0_i32_0 = arith.constant 0 : i32
    %c0_i32_1 = arith.constant 0 : i32
    return %c0_i32, %c0_i32_0 : i32, i32
  }
  func.func @transform_5(%arg0: i32) -> (i32, i32) {
    %c0_i32 = arith.constant 0 : i32
    %c0_i32_0 = arith.constant 0 : i32
    %c0_i32_1 = arith.constant 0 : i32
    return %c0_i32, %c0_i32_0 : i32, i32
  }
  func.func @transform_6(%arg0: i32) -> (i32, i32) {
    %c0_i32 = arith.constant 0 : i32
    %c0_i32_0 = arith.constant 0 : i32
    %c0_i32_1 = arith.constant 0 : i32
    return %c0_i32, %c0_i32_0 : i32, i32
  }
  func.func @transform_7(%arg0: i32) -> (i32, i32) {
    %c0_i32 = arith.constant 0 : i32
    %c0_i32_0 = arith.constant 0 : i32
    %c0_i32_1 = arith.constant 0 : i32
    return %c0_i32, %c0_i32_0 : i32, i32
  }
  func.func @transform_8(%arg0: i32) -> (i32, i32) {
    %c0_i32 = arith.constant 0 : i32
    %c0_i32_0 = arith.constant 0 : i32
    %c0_i32_1 = arith.constant 0 : i32
    return %c0_i32, %c0_i32_0 : i32, i32
  }
  func.func @transform_9(%arg0: i32) -> (i32, i32) {
    %c0_i32 = arith.constant 0 : i32
    %c0_i32_0 = arith.constant 0 : i32
    %c0_i32_1 = arith.constant 0 : i32
    return %c0_i32, %c0_i32_0 : i32, i32
  }
  func.func @transform_10(%arg0: i32) -> (i32, i32) {
    %c0_i32 = arith.constant 0 : i32
    %c0_i32_0 = arith.constant 0 : i32
    %c0_i32_1 = arith.constant 0 : i32
    return %c0_i32, %c0_i32_0 : i32, i32
  }
  func.func @transform_11(%arg0: i32) -> (i32, i32) {
    %c0_i32 = arith.constant 0 : i32
    %c0_i32_0 = arith.constant 0 : i32
    %c0_i32_1 = arith.constant 0 : i32
    return %c0_i32, %c0_i32_0 : i32, i32
  }
  func.func @transform_12(%arg0: i32) -> (i32, i32) {
    %c0_i32 = arith.constant 0 : i32
    %c0_i32_0 = arith.constant 0 : i32
    %c0_i32_1 = arith.constant 0 : i32
    return %c0_i32, %c0_i32_0 : i32, i32
  }
  func.func @transform_13(%arg0: i32) -> (i32, i32) {
    %c0_i32 = arith.constant 0 : i32
    %c0_i32_0 = arith.constant 0 : i32
    %c0_i32_1 = arith.constant 0 : i32
    return %c0_i32, %c0_i32_0 : i32, i32
  }
  func.func @transform_14(%arg0: i32) -> (i32, i32, i32) {
    %jit3A = arith.constant 4 : i32
    %div3A = arith.divsi %arg0, %jit3A : i32
    %sign3A = arith.constant 0 : i32
    %sign3A_0 = arith.cmpi sgt, %arg0, %sign3A : i32
    %sign3A_1 = arith.extui %sign3A_0 : i1 to i32
    %sign3A_2 = arith.constant 0 : i32
    %sign3A_3 = arith.cmpi slt, %arg0, %sign3A_2 : i32
    %sign3A_4 = arith.extui %sign3A_3 : i1 to i32
    %sign3A_5 = arith.subi %sign3A_1, %sign3A_4 : i32
    %sign3A_6 = arith.constant 0 : i32
    %sign3A_7 = arith.cmpi sgt, %jit3A, %sign3A_6 : i32
    %sign3A_8 = arith.extui %sign3A_7 : i1 to i32
    %sign3A_9 = arith.constant 0 : i32
    %sign3A_10 = arith.cmpi slt, %jit3A, %sign3A_9 : i32
    %sign3A_11 = arith.extui %sign3A_10 : i1 to i32
    %sign3A_12 = arith.subi %sign3A_8, %sign3A_11 : i32
    %ne3A = arith.cmpi ne, %sign3A_5, %sign3A_12 : i32
    %rem3A = arith.remsi %arg0, %jit3A : i32
    %ne3A_13 = arith.constant 0 : i32
    %ne3A_14 = arith.cmpi ne, %rem3A, %ne3A_13 : i32
    %and3A = arith.andi %ne3A, %ne3A_14 : i1
    %sub3A = arith.constant 1 : i32
    %sub3A_15 = arith.subi %div3A, %sub3A : i32
    %select_n3A = arith.select %and3A, %sub3A_15, %div3A : i32
    %jit3A_16 = arith.constant 4 : i32
    %eq3A = arith.constant 0 : i32
    %eq3A_17 = arith.cmpi eq, %jit3A_16, %eq3A : i32
    %jit3A_18 = arith.constant 1 : i32
    %select_n3A_19 = arith.select %eq3A_17, %jit3A_18, %jit3A_16 : i32
    %rem3A_20 = arith.remsi %arg0, %select_n3A_19 : i32
    %ne3A_21 = arith.constant 0 : i32
    %ne3A_22 = arith.cmpi ne, %rem3A_20, %ne3A_21 : i32
    %lt3A = arith.constant 0 : i32
    %lt3A_23 = arith.cmpi slt, %rem3A_20, %lt3A : i32
    %lt3A_24 = arith.constant 0 : i32
    %lt3A_25 = arith.cmpi slt, %select_n3A_19, %lt3A_24 : i32
    %ne3A_26 = arith.xori %lt3A_23, %lt3A_25 : i1
    %and3A_27 = arith.andi %ne3A_26, %ne3A_22 : i1
    %add3A = arith.addi %rem3A_20, %select_n3A_19 : i32
    %select_n3A_28 = arith.select %and3A_27, %add3A, %rem3A_20 : i32
    %c0_i32 = arith.constant 0 : i32
    %c0_i32_29 = arith.constant 0 : i32
    return %select_n3A, %select_n3A_28, %c0_i32 : i32, i32, i32
  }
}

</mosaic_0001>

<sc_bundles>
// kernel: kernel.10.cloned.1.call-start
scs
__scs_entry_jumppad:
0x0: {  	(pc) =	sbr.rel $0x88, $3  }
0x1: {  	(tag) =	ssettag $0x0;
	lr =	simm.s32 $0x1  }
0x2: {  	[smem:$0x3F93] =	sst lr;
	_ =	strace $0xD0000000  }
0x3: {  	_ = 	snop  }
0x4: {  	_ = 	snop  }
0x5: {  	_ = 	snop  }
0x6: {  	_ = 	snop  }
0x7: {  	_ = 	snop  }
__scs_overlays_trampoline_lowered:
0x8: {  	[smem:$0x3FA2] =	sst s0  }
0x9: {  	[smem:$0x3FA3] =	sst s1  }
0xa: {  	[smem:$0x3FA4] =	sst s2  }
0xb: {  	[smem:$0x3FA5] =	sst s3  }
0xc: {  	[smem:$0x3FA6] =	sst s4  }
0xd: {  	[smem:$0x3FA7] =	sst s5  }
0xe: {  	[smem:$0x3FA8] =	sst s6  }
0xf: {  	[smem:$0x3FA9] =	sst s7  }
0x10: {  	[smem:$0x3FAA] =	sst s8  }
0x11: {  	[smem:$0x3FAB] =	sst s9;
	s0 =	simm.s32 @!p0 $0x0  }
0x12: {  	s1 =	sld [smem:$0x3F91];
	s0 =	simm.s32 @p0 $0x1  }
0x13: {  	[smem:$0x3FAC] =	sst s0;
	s0 =	simm.s32 @!p1 $0x0  }
0x14: {  	s2 =	sld [smem:$0x3F90];
	s0 =	simm.s32 @p1 $0x1  }
0x15: {  	[smem:$0x3FAD] =	sst s0;
	s0 =	simm.s32 @!p2 $0x0  }
0x16: {  	s3 =	sld [smem:$0x3FDB];
	s0 =	simm.s32 @p2 $0x1  }
0x17: {  	s4 =	simm.s32 $0x1BF5;
	[smem:$0x3FAF] =	sst s0  }
0x18: {  	s0 =	sld [smem:$0x3F92];
	_ =	swait.ge [sflag:s4], $0x0  }
0x19: {  	s7 =	sld [smem:$0x3F93]  }
0x1a: {  	s8 =	sadd.s32 $0xFFFFE003, lr  }
0x1b: {  	s9 =	sadd.s32 $0xFFFFFEF7, lr;
	s5 =	simm.s32 $0xFFFFFFFF;
	p2 =	slt.u32 s8, $0xFFFFF086  }
0x1c: {  	p1 =	slt.u32 s9, $0xF7A;
	s5 =	simm.s32 @!p2 $0x0  }
0x1d: {  	s5 =	simm.s32 @p1 $0x1;
	p0 =	seq.s32 s7, s2  }
0x1e: {  	s7 =	smul.u32 @!p0 $0xF7A, s2;
	p2 =	seq.s32 @!p0 s5, $0x0  }
0x1f: {  	s9 =	smul.u32 $0xF7A, s1;
	s8 =	simm.s32 @!p0 $0x1BF5;
	p2 =	por !p2, p0  }
0x20: {  	[sflag:s8] =	ssyncset.s32 @!p0 $0xFFFFF086;
	s6 =	sadd.s32 @!p0 s3, s7;
	s7 =	simm.s32 @!p0 $0x108  }
0x21: {  	s3 =	sadd.s32 s3, s9;
	s6 =	sadd.s32 @!p0 $0x88, s6;
	s7 =	simm.s32 @p2 $0x1082  }
0x22: {  	[simem:s7], [sflag:s8] =	dma.local @!p0 [hbm:s6], $0xF7A  }
0x23: {  	s9 =	sor.u32 $0xD0000000, s2;
	s6 =	simm.s32 $0x108;
	_ =	swait.ge @!p0 [sflag:s8], $0x0  }
0x24: {  	s3 =	sadd.s32 $0x88, s3;
	s6 =	simm.s32 @!p1 $0x1082;
	[sflag:s4] =	ssyncset.s32 $0xFFFFF086  }
0x25: {  	[simem:s6], [sflag:s4] =	dma.local [hbm:s3], $0xF7A  }
0x26: {  	[smem:$0x3F93] =	sst s1;
	(tag) =	ssettag s2;
	_ =	strace s9  }
0x27: {  	s1 =	sld [smem:$0x3FA3]  }
0x28: {  	s2 =	sld [smem:$0x3FA4]  }
0x29: {  	s4 =	sld [smem:$0x3FA6]  }
0x2a: {  	p0 =	seq.s32 s5, $0x0;
	s5 =	sld [smem:$0x3FA7]  }
0x2b: {  	s6 =	sld [smem:$0x3FA8]  }
0x2c: {  	s7 =	sld [smem:$0x3FA9]  }
0x2d: {  	s3 =	simm.s32 $0x108;
	s8 =	sld [smem:$0x3FAA]  }
0x2e: {  	s3 =	simm.s32 @!p0 $0x1082;
	s9 =	sld [smem:$0x3FAB]  }
0x2f: {  	lr =	sadd.s32 s0, s3;
	s0 =	sld [smem:$0x3FA2]  }
0x30: {  	s3 =	sld [smem:$0x3FA5]  }
0x31: {  	[smem:$0x3FAE] =	sst s10  }
0x32: {  	s10 =	sld [smem:$0x3FAC];
	_ =	sdelay $0x3  }
0x33: {  	p0 =	seq.s32 s10, $0x1;
	s10 =	sld [smem:$0x3FAE];
	_ =	sdelay $0x3  }
0x34: {  	[smem:$0x3FAE] =	sst s10  }
0x35: {  	s10 =	sld [smem:$0x3FAD];
	_ =	sdelay $0x3  }
0x36: {  	p1 =	seq.s32 s10, $0x1;
	s10 =	sld [smem:$0x3FAE];
	_ =	sdelay $0x3  }
0x37: {  	[smem:$0x3FAE] =	sst s10  }
0x38: {  	s10 =	sld [smem:$0x3FAF]  }
0x39: {  	_ = 	snop;
	(pc) =	sbr.ind lr, $3  }
0x3a: {  	_ = 	snop  }
0x3b: {  	_ = 	snop  }
0x3c: {  	p2 =	seq.s32 s10, $0x1;
	s10 =	sld [smem:$0x3FAE]  }
0x3d: {  	_ =	shalt  }
0x3e: {  	_ =	shalt  }
0x3f: {  	_ =	shalt  }
0x40: {  	_ =	shalt  }
0x41: {  	_ =	shalt  }
0x42: {  	_ =	shalt  }
0x43: {  	_ =	shalt  }
0x44: {  	_ =	shalt  }
0x45: {  	_ =	shalt  }
0x46: {  	_ =	shalt  }
0x47: {  	_ =	shalt  }
0x48: {  	_ =	shalt  }
0x49: {  	_ =	shalt  }
0x4a: {  	_ =	shalt  }
0x4b: {  	_ =	shalt  }
0x4c: {  	_ =	shalt  }
0x4d: {  	_ =	shalt  }
0x4e: {  	_ =	shalt  }
0x4f: {  	_ =	shalt  }
0x50: {  	_ =	shalt  }
0x51: {  	_ =	shalt  }
0x52: {  	_ =	shalt  }
0x53: {  	_ =	shalt  }
0x54: {  	_ =	shalt  }
0x55: {  	_ =	shalt  }
0x56: {  	_ =	shalt  }
0x57: {  	_ =	shalt  }
0x58: {  	_ =	shalt  }
0x59: {  	_ =	shalt  }
0x5a: {  	_ =	shalt  }
0x5b: {  	_ =	shalt  }
0x5c: {  	_ =	shalt  }
0x5d: {  	_ =	shalt  }
0x5e: {  	_ =	shalt  }
0x5f: {  	_ =	shalt  }
0x60: {  	_ =	shalt  }
0x61: {  	_ =	shalt  }
0x62: {  	_ =	shalt  }
0x63: {  	_ =	shalt  }
0x64: {  	_ =	shalt  }
0x65: {  	_ =	shalt  }
0x66: {  	_ =	shalt  }
0x67: {  	_ =	shalt  }
0x68: {  	_ =	shalt  }
0x69: {  	_ =	shalt  }
0x6a: {  	_ =	shalt  }
0x6b: {  	_ =	shalt  }
0x6c: {  	_ =	shalt  }
0x6d: {  	_ =	shalt  }
0x6e: {  	_ =	shalt  }
0x6f: {  	_ =	shalt  }
0x70: {  	_ =	shalt  }
0x71: {  	_ =	shalt  }
0x72: {  	_ =	shalt  }
0x73: {  	_ =	shalt  }
0x74: {  	_ =	shalt  }
0x75: {  	_ =	shalt  }
0x76: {  	_ =	shalt  }
0x77: {  	_ =	shalt  }
0x78: {  	_ =	shalt  }
0x79: {  	_ =	shalt  }
0x7a: {  	_ =	shalt  }
0x7b: {  	_ =	shalt  }
0x7c: {  	_ =	shalt  }
0x7d: {  	_ =	shalt  }
0x7e: {  	_ =	shalt  }
0x7f: {  	_ =	shalt  }
0x80: {  	_ =	shalt  }
0x81: {  	_ =	shalt  }
0x82: {  	_ =	shalt  }
0x83: {  	_ =	shalt  }
0x84: {  	_ =	shalt  }
0x85: {  	_ =	shalt  }
0x86: {  	_ =	shalt  }
0x87: {  	_ =	shalt  }
.Lfunc_end0:
.L_simem_size_0:
called_computation_lowered:
.L_overlay_start_0:
0x88: {  	s2 =	sld [smem:$0x3FD9]  }
0x89: {  	s3 =	sld [smem:$0x3FFE];
	_ =	sdelay $0x1  }
0x8a: {  	s1 =	srdreg.scid  }
0x8b: {  	s0 =	sand.u32 $0x1, s1  }
0x8c: {  	s14 =	sshll.u32 s0, $0xA;
	s2 =	sadd.s32 s3, s2  }
0x8d: {  	s2 =	sadd.s32 s2, s14  }
0x8e: {  	[smem:$0x3FBA] =	sst s2  }
0x8f: {  	_ = 	snop  }
0x90: {  	s2 =	sld [smem:$0x3FD0];
	_ =	sdelay $0x2  }
0x91: {  	s15 =	simm.s32 $0xA;
	s4 =	simm.s32 $0x10  }
0x92: {  	[smem:s4], [sflag:s15] =	dma.local [hbm:s2], $0x1  }
0x93: {  	_ =	swait.eq [sflag:s15], $0x1  }
0x94: {  	[sflag:s15] =	ssyncset.done $0x0  }
0x95: {  	[sflag:s15] =	ssyncadd.s32 $0xFFFFFFFF  }
0x96: {  	s16 =	sld [smem:$0x11];
	(tm) =	ssettm $0x1  }
0x97: {  	s17 =	sld [smem:$0x3FFB];
	_ =	sdelay $0x3  }
0x98: {  	_ =	strace s17  }
0x99: {  	s3 =	sld [smem:$0x3FFC];
	_ =	sdelay $0x3  }
0x9a: {  	_ =	strace s3  }
0x9b: {  	s3 =	sld [smem:$0x3FFD];
	_ =	sdelay $0x3  }
0x9c: {  	_ =	strace s3  }
0x9d: {  	_ =	strace $0x8FFFFFFF  }
0x9e: {  	s18 =	sld [smem:$0x3FDB];
	_ =	sdelay $0x1  }
0x9f: {  	s19 =	simm.s32 $_scs_section_size  }
0xa0: {  	s5 =	simm.s32 $_size__tile_overlayer_lowered;
	s6 =	simm.s32 $_tile_overlayer_lowered  }
0xa1: {  	s22 =	simm.s32 $0x1BFF;
	s21 =	sshll.u32 s6, $0x1;
	s3 =	sadd.s32 s19, s18  }
0xa2: {  	s7 =	simm.s32 $0x0;
	s20 =	sshll.u32 s5, $0x1;
	s5 =	sadd.s32 s21, s3  }
0xa3: {  	[timem:s7], [sflag:s22] =	dma.local [hbm:s5], s20  }
0xa4: {  	_ =	swait.ge [sflag:s22], s20  }
0xa5: {  	s4 =	ssub.s32 $0x0, s20;
	[sflag:s22] =	ssyncset.done $0x0  }
0xa6: {  	[sflag:s22] =	ssyncadd.s32 s4;
	_ =	sdelay $0x1  }
0xa7: {  	s23 =	simm.s32 $0x1B8B  }
0xa8: {  	_ =	swait.ge [sflag:s23], $0x1  }
0xa9: {  	[sflag:s23] =	ssyncset.done $0x0  }
0xaa: {  	s25 =	simm.s32 $0x1B8E;
	s24 =	sld [smem:$0x3FFE];
	[sflag:s23] =	ssyncadd.s32 $0xFFFFFFFF  }
0xab: {  	s26 =	simm.s32 $execute0_lowered;
	[smem:$0x3FD2] =	sst s25  }
0xac: {  	s5 =	sshll.u32 s26, $0x1;
	_ =	strace $0x80000046;
	[dreg:$0x1] =	wrdreg $0xFFFFFFFF  }
0xad: {  	s28 =	simm.s32 $_size_execute0_lowered;
	s3 =	sadd.s32 s3, s5;
	[dreg:$0x0] =	wrdreg $0x0  }
0xae: {  	s5 =	sshll.u32 s28, $0x1;
	[dreg:$0x2] =	wrdreg s3  }
0xaf: {  	[dreg:$0x3] =	wrdreg s5  }
0xb0: {  	[dreg:$0x4] =	wrdreg $0xC0  }
0xb1: {  	_ =	task [dreg:s7], $0x5FFFF  }
0xb2: {  	[dreg:$0x1] =	wrdreg $0xFFFFFFFF  }
0xb3: {  	[dreg:$0x0] =	wrdreg $0x60  }
0xb4: {  	[dreg:$0x2] =	wrdreg s24  }
0xb5: {  	[dreg:$0x3] =	wrdreg s16  }
0xb6: {  	[dreg:$0x4] =	wrdreg $0x9  }
0xb7: {  	_ =	task.clear_ibuf [dreg:s7], $0x5FFFF;
	_ =	strace $0x90000046  }
0xb8: {  	s29 =	simm.s32 $0x9;
	_ =	strace $0x80000048  }
0xb9: {  	_ =	swait.ge [sflag:s29], $0x1  }
0xba: {  	[sflag:s29] =	ssyncadd.s32 $0xFFFFFFFF  }
0xbb: {  	_ =	strace $0x90000048  }
0xbc: {  	_ =	sfence  }
0xbd: {  	s30 =	sld [smem:$0x0];
	_ =	sdelay $0x2  }
0xbe: {  	s31 =	sshll.u32 s1, $0xD;
	s1 =	sshrl.u32 s1, $0x2  }
0xbf: {  	s3 =	sand.u32 $0x4000, s31;
	s1 =	sadd.s32 s1, s30  }
0xc0: {  	s0 =	sor.u32 s3, s0;
	s1 =	sshll.u32 s1, $0x11  }
0xc1: {  	s0 =	sor.u32 s1, s0  }
0xc2: {  	s0 =	sadd.s32 $0x8F2B, s0  }
0xc3: {  	[sflag:s0] =	ssyncadd.remote.s32 $0x1  }
0xc4: {  	_ =	sfence.sel $0xFFFF  }
0xc5: {  	[dreg:$0x0] =	wrdreg $0xFFFFFFFF;
	(pc) =	sbr.abs _section_cstart, $3  }
0xc6: {  	[dreg:$0x1] =	wrdreg $0xFFFFFFFF  }
0xc7: {  	_ =	task.clear_ibuf [dreg:s7], $0x2FFFF;
	_ =	strace $0x9FFFFFFF  }
0xc8: {  	(tm) =	ssettm $0x7FFFFFFF  }
0xc9: {  	_ =	shalt  }
tec
execute0_lowered:
.L_overlay_start_1:
0x0: {  	(tag) =	ssettag $0x1  }
0x1: {  	s4 =	rddreg [dreg:$0x0]  }
0x2: {  	s6 =	rddreg [dreg:$0x1]  }
0x3: {  	s0 =	rddreg [dreg:$0x2];
	s2 =	simm.s32 $0x0;
	s1 =	stileid.u32  }
0x4: {  	s3 =	srdreg.scid;
	[smem:$0x7FF] =	sst s2  }
0x5: {  	s5 =	sshll.u32 s1, $0x13;
	s7 =	sand.u32 $0x1, s3;
	s3 =	sadd.s32 $0x205000, s4  }
0x6: {  	s9 =	sshll.u32 s1, $0xF;
	_ =	strace $0x80000047;
	s5 =	sadd.s32 s5, s4  }
0x7: {  	s29 =	ssub.s32 $0x2, s7;
	s10 =	sshll.u32 s7, $0xE;
	s7 =	sshll.u32 s7, $0x12  }
0x8: {  	s8 =	sshrl.u32 s29, $0x1;
	s30 =	sor.u32 s10, s9;
	s5 =	sadd.s32 s7, s5  }
0x9: {  	s7 =	simm.s32 $0x2;
	s9 =	simm.s32 $0x1;
	s10 =	simm.s32 $0x0  }
0xa: {  	s4 =	ssub.s32 s29, s8;
	s31 =	sshrl.u32 s30, $0x3;
	s5 =	sadd.s32 $0x305000, s5  }
0xb: {  	s8 =	simm.s32 $0x200;
	s4 =	smax.u32 s4, $0x1;
	s6 =	sadd.s32 s31, s6  }
.LBB2_1:
0xc: {  	s11 =	sadd.s32 $0x0, s6  }
0xd: {  	[tilespmem:s2], [sflag:$0x2] =	stream.linear.gather [hbm4b:s11+s2], $0x200, $0x38;
	[tilespmem:$0x10200] =	vst v63  }
0xe: {  	_ =	swait.ge [sflag:s7], $0x200  }
0xf: {  	[sflag:s7] =	ssyncset.done $0x0  }
0x10: {  	[sflag:s7] =	ssyncadd.s32 $0xFFFFFE00  }
0x11: {  	[tilespmem:s8], [sflag:$0x1] =	stream.indirect.gather [hbm4b:s3+s8], $0x80, s2, s8, $0xb8;
	[tilespmem:$0x10200] =	vst v63  }
0x12: {  	_ =	swait.ge [sflag:s9], $0x10000  }
0x13: {  	[sflag:s9] =	ssyncset.done $0x0  }
0x14: {  	[sflag:s9] =	ssyncadd.s32 $0xFFFF0000  }
0x15: {  	[hbm4b:s5+s2] =	stream.linear.scatter [tilespmem:s8], [sflag:$0x2], $0x10000, $0x38;
	[tilespmem:$0x10200] =	vst v63  }
0x16: {  	s12 =	simm.s32 $0x40;
	_ =	swait.ge [sflag:s7], $0x10000  }
0x17: {  	s13 =	simm.s32 $0x80;
	s11 =	sadd.s32 $0x2000, s5;
	[sflag:s7] =	ssyncset.done $0x0  }
.LBB2_2:
0x18: {  	s14 =	sadd.s32 s12, s6  }
0x19: {  	[sflag:s7] =	ssyncadd.s32 $0xFFFF0000;
	s12 =	smov.u32 s13;
	s15 =	sadd.s32 $0x40, s13  }
0x1a: {  	[tilespmem:s2], [sflag:$0x2] =	stream.linear.gather [hbm4b:s14+s2], $0x200, $0x38;
	[tilespmem:$0x10200] =	vst v63  }
0x1b: {  	p0 =	sne.s32 s13, $0x7C0;
	_ =	swait.ge [sflag:s7], $0x200  }
0x1c: {  	[sflag:s7] =	ssyncset.done $0x0  }
0x1d: {  	[sflag:s7] =	ssyncadd.s32 $0xFFFFFE00  }
0x1e: {  	[tilespmem:s8], [sflag:$0x1] =	stream.indirect.gather [hbm4b:s3+s8], $0x80, s2, s8, $0xb8;
	[tilespmem:$0x10200] =	vst v63  }
0x1f: {  	_ =	swait.ge [sflag:s9], $0x10000  }
.Ltmp0:
0x20: {  	[sflag:s9] =	ssyncset.done $0x0;
	(pc) =	sbr.rel @p0 .LBB2_2-.Ltmp0, $4  }
0x21: {  	[sflag:s9] =	ssyncadd.s32 $0xFFFF0000  }
0x22: {  	[hbm4b:s11+s2] =	stream.linear.scatter [tilespmem:s8], [sflag:$0x2], $0x10000, $0x38;
	[tilespmem:$0x10200] =	vst v63  }
0x23: {  	_ =	swait.ge [sflag:s7], $0x10000  }
0x24: {  	s13 =	smov.u32 s15;
	s11 =	sadd.s32 $0x2000, s11;
	[sflag:s7] =	ssyncset.done $0x0  }
0x25: {  	s12 =	sadd.s32 s12, s6;
	[sflag:s7] =	ssyncadd.s32 $0xFFFF0000  }
0x26: {  	[tilespmem:s2], [sflag:$0x2] =	stream.linear.gather [hbm4b:s12+s2], $0x200, $0x38;
	[tilespmem:$0x10200] =	vst v63  }
0x27: {  	_ =	swait.ge [sflag:s7], $0x200  }
0x28: {  	[sflag:s7] =	ssyncset.done $0x0  }
0x29: {  	[sflag:s7] =	ssyncadd.s32 $0xFFFFFE00  }
0x2a: {  	[tilespmem:s8], [sflag:$0x1] =	stream.indirect.gather [hbm4b:s3+s8], $0x80, s2, s8, $0xb8;
	[tilespmem:$0x10200] =	vst v63  }
0x2b: {  	s10 =	sadd.s32 $0x1, s10;
	_ =	swait.ge [sflag:s9], $0x10000  }
0x2c: {  	p0 =	sne.s32 s10, s4;
	[sflag:s9] =	ssyncset.done $0x0  }
.Ltmp1:
0x2d: {  	[sflag:s9] =	ssyncadd.s32 $0xFFFF0000;
	(pc) =	sbr.rel @p0 .LBB2_1-.Ltmp1, $4  }
0x2e: {  	[hbm4b:s11+s2] =	stream.linear.scatter [tilespmem:s8], [sflag:$0x2], $0x10000, $0x38;
	[tilespmem:$0x10200] =	vst v63  }
0x2f: {  	_ =	swait.ge [sflag:s7], $0x10000  }
0x30: {  	[sflag:s7] =	ssyncset.done $0x0  }
0x31: {  	[sflag:s7] =	ssyncadd.s32 $0xFFFF0000  }
0x32: {  	_ =	sfence.sel $0x180000  }
0x33: {  	[bflag:$0x0] =	sbarrier.arrive $0xFFFF  }
0x34: {  	p0 =	sne.s32 s1, $0x0;
	_ =	strace $0x90000047  }
0x35: {  	s0 =	sadd.s32 @!p0 $0x100000, s0;
	[bflag:$0x2] =	sbarrier.arrive $0xFFFF  }
0x36: {  	[sflag:s0] =	ssyncadd.tile.s32 @!p0 $0x1;
	_ =	shalt  }
.Lfunc_end2:
_tile_overlayer_lowered:
.L_overlay_start_2:
0x37: {  	(tag) =	ssettag $0x2  }
0x38: {  	s0 =	rddreg [dreg:$0x0];
	s2 =	stileid.u32  }
0x39: {  	s1 =	rddreg [dreg:$0x1];
	p0 =	sne.s32 s2, $0x0  }
0x3a: {  	s3 =	rddreg [dreg:$0x2];
	[bflag:$0x3] =	sbarrier.arrive $0xFFFF;
	s2 =	simm.s32 @!p0 $0x1C02  }
0x3b: {  	[timem:s3], [sflag:s2] =	dma.local @!p0 [hbm:s0], s1  }
0x3c: {  	s0 =	simm.s32 @!p0 $0x2  }
0x3d: {  	_ =	swait.ge @!p0 [sflag:s0], s1  }
0x3e: {  	s1 =	ssub.s32 @!p0 $0x0, s1;
	[sflag:s0] =	ssyncset.done @!p0 $0x0  }
0x3f: {  	[sflag:s0] =	ssyncadd.s32 @!p0 s1  }
0x40: {  	[bflag:$0x3] =	sbarrier.arrive $0xFFFF  }
0x41: {  	_ =	shalt  }

</sc_bundles>
